<compile_context>
chip_gen: v7x
topology: tpu7x:2x2x1
jax: 0.10.2.dev20260603
libtpu: 0.0.44.dev20260713+nightly
codegen_flags: <defaults>
</compile_context>

<pallas_src>
import dataclasses
import functools

import jax
import jax.numpy as jnp
from jax import lax
from jax.experimental import pallas as pl
from jax.experimental.pallas import tpu as pltpu
from jax.experimental.pallas import tpu_sc as plsc

N = 10000
E = 320000
F = 128
H = 128
C = 40

NC = 2
NS = 16
G = 128
K = -(-E // (NC * NS * G))
E_PAD = NC * NS * K * G
TRASH = N
N_ACC = 10240
RPS = N_ACC // NS
W2P = 64

_mesh = plsc.VectorSubcoreMesh(core_axis_name="c", subcore_axis_name="s")

_cp_no_layout = pltpu.CompilerParams()
if "needs_layout_passes" in pltpu.CompilerParams.__dataclass_fields__:
    _cp_no_layout = dataclasses.replace(_cp_no_layout, needs_layout_passes=False)


def _seg_cnt(dst4):

    @functools.partial(
        pl.kernel,
        out_type=jax.ShapeDtypeStruct((NC, N_ACC), jnp.float32),
        mesh=_mesh,
        compiler_params=_cp_no_layout,
        scratch_types=[
            pltpu.VMEM((K, G), jnp.int32),
            pltpu.VMEM((1, N_ACC), jnp.float32),
            pltpu.VMEM((NS, RPS), jnp.float32),
            pltpu.VMEM((1, RPS), jnp.float32),
            pltpu.VMEM_SHARED((NS, N_ACC), jnp.float32),
        ],
    )
    def k(dst_hbm, cnt_out, dst_v, hist_v, red_v, out_v, stage_sh):
        c = lax.axis_index("c")
        s = lax.axis_index("s")
        r0 = s * RPS

        pltpu.sync_copy(dst_hbm.at[c, s], dst_v)

        @pl.loop(0, N_ACC // 16)
        def _(i):
            hist_v[0, pl.ds(i * 16, 16)] = jnp.zeros((16,), jnp.float32)

        ones = jnp.full((16,), 1.0, jnp.float32)
        zrow = jnp.zeros((16,), jnp.int32)

        @pl.loop(0, K)
        def _(j):
            row = dst_v.at[j]
            for k2 in range(G // 16):
                idx = row[pl.ds(k2 * 16, 16)]
                plsc.addupdate_scatter(hist_v, [zrow, idx], ones)

        pltpu.sync_copy(hist_v, stage_sh.at[pl.ds(s, 1)])
        plsc.subcore_barrier()

        for r in range(NS):
            pltpu.sync_copy(stage_sh.at[pl.ds(r, 1), pl.ds(r0, RPS)],
                            red_v.at[pl.ds(r, 1)])

        @pl.loop(0, RPS // 16)
        def _(i):
            sl = pl.ds(i * 16, 16)
            acc = red_v[0, sl]
            for r in range(1, NS):
                acc = acc + red_v[r, sl]
            out_v[0, sl] = acc

        pltpu.sync_copy(out_v, cnt_out.at[pl.ds(c, 1), pl.ds(r0, RPS)])

    return k(dst4)


def _seg_sum(data, src4, dst4, zacc, width):

    @functools.partial(
        pl.kernel,
        out_type=jax.ShapeDtypeStruct((NC, N_ACC, width), jnp.float32),
        mesh=_mesh,
        scratch_types=[
            pltpu.VMEM((K, G), jnp.int32),
            pltpu.VMEM((K, G), jnp.int32),
            pltpu.VMEM((G, width), jnp.float32),
            pltpu.VMEM_SHARED((N_ACC, width), jnp.float32),
            pltpu.SemaphoreType.DMA,
        ],
    )
    def k(d_hbm, src_hbm, dst_hbm, zacc_hbm, acc_out,
          src_v, dst_v, rows_v, acc_sh, sem):
        c = lax.axis_index("c")
        s = lax.axis_index("s")
        r0 = s * RPS

        pltpu.sync_copy(zacc_hbm.at[pl.ds(r0, RPS)], acc_sh.at[pl.ds(r0, RPS)])
        pltpu.sync_copy(src_hbm.at[c, s], src_v)
        pltpu.sync_copy(dst_hbm.at[c, s], dst_v)

        plsc.subcore_barrier()

        @pl.loop(0, K)
        def _(j):
            pltpu.async_copy(d_hbm.at[src_v.at[j]], rows_v, sem).wait()
            pltpu.sync_copy(rows_v, acc_sh.at[dst_v.at[j]], add=True)

        plsc.subcore_barrier()

        pltpu.sync_copy(acc_sh.at[pl.ds(r0, RPS)],
                        acc_out.at[c, pl.ds(r0, RPS)])

    return k(data, src4, dst4, zacc)


_BN = 1000


def _tc1_body(x_ref, a1_ref, cnt_ref, w1s_ref, w1n_ref, b1_ref,
              w2c_ref, b2c_ref, u_ref):
    cnt = cnt_ref[:, 0:1] + cnt_ref[:, 1:2]
    mean1 = (a1_ref[0] + a1_ref[1]) / jnp.maximum(cnt, 1.0)
    s1 = jnp.dot(x_ref[...], w1s_ref[...], preferred_element_type=jnp.float32)
    m1 = jnp.dot(mean1, w1n_ref[...], preferred_element_type=jnp.float32)
    h = jax.nn.relu(s1 + m1 + b1_ref[...])
    u = jnp.dot(h, w2c_ref[...], preferred_element_type=jnp.float32)
    u_ref[...] = u + b2c_ref[...]


def _tc1(x, a1, cnt16, W1_self, W1_neigh, b1, W2cat, b2cat):
    grid = (N // _BN,)
    return pl.pallas_call(
        _tc1_body,
        grid=grid,
        in_specs=[
            pl.BlockSpec((_BN, F), lambda i: (i, 0)),
            pl.BlockSpec((NC, _BN, F), lambda i: (0, i, 0)),
            pl.BlockSpec((_BN, NC), lambda i: (i, 0)),
            pl.BlockSpec((F, H), lambda i: (0, 0)),
            pl.BlockSpec((F, H), lambda i: (0, 0)),
            pl.BlockSpec((1, H), lambda i: (0, 0)),
            pl.BlockSpec((H, 2 * W2P), lambda i: (0, 0)),
            pl.BlockSpec((1, 2 * W2P), lambda i: (0, 0)),
        ],
        out_specs=pl.BlockSpec((_BN, 2 * W2P), lambda i: (i, 0)),
        out_shape=jax.ShapeDtypeStruct((N, 2 * W2P), jnp.float32),
    )(x, a1, cnt16, W1_self, W1_neigh, b1, W2cat, b2cat)


def _tc2_body(u_ref, a2_ref, cnt_ref, out_ref):
    cnt = cnt_ref[:, 0:1] + cnt_ref[:, 1:2]
    mean2 = (a2_ref[0, :, :W2P] + a2_ref[1, :, :W2P]) / jnp.maximum(cnt, 1.0)
    t = u_ref[:, W2P:] + mean2
    col = lax.broadcasted_iota(jnp.int32, (_BN, W2P), 1)
    valid = col < C
    tm = jnp.where(valid, t, -jnp.inf)
    m = jnp.max(tm, axis=-1, keepdims=True)
    e = jnp.where(valid, jnp.exp(t - m), 0.0)
    lse = jnp.log(jnp.sum(e, axis=-1, keepdims=True))
    out_ref[...] = (t - m - lse)[:, :C]


def _tc2(u, a2, cnt16):
    grid = (N // _BN,)
    return pl.pallas_call(
        _tc2_body,
        grid=grid,
        in_specs=[
            pl.BlockSpec((_BN, 2 * W2P), lambda i: (i, 0)),
            pl.BlockSpec((NC, _BN, 2 * W2P), lambda i: (0, i, 0)),
            pl.BlockSpec((_BN, NC), lambda i: (i, 0)),
        ],
        out_specs=pl.BlockSpec((_BN, C), lambda i: (i, 0)),
        out_shape=jax.ShapeDtypeStruct((N, C), jnp.float32),
    )(u, a2, cnt16)


def kernel(x, adj, W1_self, W1_neigh, b1, W2_self, W2_neigh, b2):
    src, dst = adj[0], adj[1]
    pad = E_PAD - E
    pad_ar = jnp.arange(pad, dtype=jnp.int32)
    src_p = jnp.concatenate([src, pad_ar % N])
    dst_p = jnp.concatenate([dst, TRASH + pad_ar % (N_ACC - N)])
    src4 = src_p.reshape(NC, NS, K, G)
    dst4 = dst_p.reshape(NC, NS, K, G)

    zacc1 = jnp.zeros((N_ACC, F), jnp.float32)

    cnt2 = _seg_cnt(dst4).T[:N]
    a1 = _seg_sum(x, src4, dst4, zacc1, F)[:, :N]

    W2cat = jnp.concatenate([
        jnp.pad(W2_neigh, ((0, 0), (0, W2P - C))),
        jnp.pad(W2_self, ((0, 0), (0, W2P - C))),
    ], axis=1)
    b2cat = jnp.concatenate(
        [jnp.zeros((W2P,), jnp.float32), jnp.pad(b2, (0, W2P - C))]
    ).reshape(1, 2 * W2P)

    u = _tc1(x, a1, cnt2, W1_self, W1_neigh, b1.reshape(1, H),
             W2cat, b2cat)

    a2 = _seg_sum(u, src4, dst4, zacc1, 2 * W2P)[:, :N]

    return _tc2(u, a2, cnt2)

# --- scband reference (transcript-rebuilt; emitter-appended) ---
"""Pipeline reference for scband-supernet-33045478375875 (READ-ONLY COPY).

The authoritative reference and input builder live on the scoring server;
editing this copy changes nothing except your own understanding.
"""

import jax, jax.numpy as jnp
import numpy as np

N = 10000
E = 320000
F = 128
H = 128
C = 40


def _sage_conv(x, src, dst, W_self, W_neigh, b):
    # GraphSAGE with mean aggregation: out = x @ W_self + mean_{j in N(i)} x_j @ W_neigh + b
    msg = jnp.take(x, src, axis=0)
    agg = jax.ops.segment_sum(msg, dst, num_segments=x.shape[0])
    cnt = jax.ops.segment_sum(jnp.ones((src.shape[0],), x.dtype), dst, num_segments=x.shape[0])
    mean = agg / jnp.clip(cnt, 1.0, None)[:, None]
    return x @ W_self + mean @ W_neigh + b


def setup_inputs(seed: int = 0) -> dict:
    key = jax.random.key(seed)
    k = jax.random.split(key, 8)
    x = jax.random.normal(k[0], (N, F), jnp.float32)
    adj = jax.random.randint(k[1], (2, E), 0, N, jnp.int32)
    W1_self = jax.random.normal(k[2], (F, H), jnp.float32) / np.sqrt(F)
    W1_neigh = jax.random.normal(k[3], (F, H), jnp.float32) / np.sqrt(F)
    b1 = jnp.zeros((H,), jnp.float32)
    W2_self = jax.random.normal(k[4], (H, C), jnp.float32) / np.sqrt(H)
    W2_neigh = jax.random.normal(k[5], (H, C), jnp.float32) / np.sqrt(H)
    b2 = jnp.zeros((C,), jnp.float32)
    return {"x": x, "adj": adj, "W1_self": W1_self, "W1_neigh": W1_neigh, "b1": b1,
            "W2_self": W2_self, "W2_neigh": W2_neigh, "b2": b2}


def reference(x, adj, W1_self, W1_neigh, b1, W2_self, W2_neigh, b2):
    src, dst = adj[0], adj[1]
    # Layer 1 (hidden Conv: sage -> BN -> ReLU -> Dropout). BN with fresh running
    # stats in eval mode is identity; dropout is off in eval.
    h = _sage_conv(x, src, dst, W1_self, W1_neigh, b1)
    h = jax.nn.relu(h)
    # Layer 2 (output Conv: sage, no act/bn)
    h = _sage_conv(h, src, dst, W2_self, W2_neigh, b2)
    return jax.nn.log_softmax(h, axis=-1)

if __name__ == "__main__":
    import jax
    _d = setup_inputs()
    print(jax.jit(kernel)(*tuple(_d.values())))

</pallas_src>

<mosaic_0001>
#map = affine_map<(d0, d1) -> (0, 0)>
#map1 = affine_map<(d0, d1) -> (0, 0, 0, 0)>
#map2 = affine_map<(d0, d1) -> (0, 0, 0)>
module attributes {stable_mosaic.version = 14 : i64} {
  func.func @k(%arg0: i32, %arg1: i32, %arg2: memref<10000x128xf32, #tpu.memory_space<hbm>>, %arg3: memref<2x16x79x128xi32, #tpu.memory_space<hbm>>, %arg4: memref<2x16x79x128xi32, #tpu.memory_space<hbm>>, %arg5: memref<10240x128xf32, #tpu.memory_space<hbm>>, %arg6: memref<2x10240x128xf32, #tpu.memory_space<hbm>>, %arg7: memref<79x128xi32, #tpu.memory_space<vmem>>, %arg8: memref<79x128xi32, #tpu.memory_space<vmem>>, %arg9: memref<128x128xf32, #tpu.memory_space<vmem>>, %arg10: memref<10240x128xf32, #tpu.memory_space<vmem_shared>>, %arg11: memref<!tpu.dma_semaphore, #tpu.memory_space<semaphore_mem>>) attributes {dimension_semantics = [#tpu.dimension_semantics<core_parallel>, #tpu.dimension_semantics<subcore_parallel>], iteration_bounds = array<i64: 2, 16>, scalar_prefetch = 0 : i64, scratch_operands = 5 : i64, tpu.core_type = #tpu.core_type<sc_vector_subcore>, window_params = [{transform_indices = #map}, {transform_indices = #map1}, {transform_indices = #map1}, {transform_indices = #map}, {transform_indices = #map2}]} {
    %mul3A = arith.constant 640 : i32
    %mul3A_0 = arith.muli %arg1, %mul3A : i32
    "tpu.region"() ({
      %run_scoped3A = tpu.sem_alloc : memref<!tpu.dma_semaphore, #tpu.memory_space<semaphore_mem>>
      %dma_start3A = arith.constant 0 : i32
      %dma_start3A_6 = tpu.memref_slice %arg10[%mul3A_0, %dma_start3A] : memref<10240x128xf32, #tpu.memory_space<vmem_shared>> -> memref<640x128xf32, #tpu.memory_space<vmem_shared>>
      %dma_start3A_7 = arith.constant 0 : i32
      %dma_start3A_8 = tpu.memref_slice %arg5[%mul3A_0, %dma_start3A_7] : memref<10240x128xf32, #tpu.memory_space<hbm>> -> memref<640x128xf32, #tpu.memory_space<hbm>>
      tpu.enqueue_dma source(%dma_start3A_8 : memref<640x128xf32, #tpu.memory_space<hbm>>) target(%dma_start3A_6 : memref<640x128xf32, #tpu.memory_space<vmem_shared>>) target_semaphore(%run_scoped3A : memref<!tpu.dma_semaphore, #tpu.memory_space<semaphore_mem>>)
      %dma_wait3A = arith.constant 0 : i32
      %dma_wait3A_9 = tpu.memref_slice %arg10[%mul3A_0, %dma_wait3A] : memref<10240x128xf32, #tpu.memory_space<vmem_shared>> -> memref<640x128xf32, #tpu.memory_space<vmem_shared>>
      %dma_wait3A_10 = arith.constant 0 : i32
      %dma_wait3A_11 = tpu.memref_slice %arg5[%mul3A_0, %dma_wait3A_10] : memref<10240x128xf32, #tpu.memory_space<hbm>> -> memref<640x128xf32, #tpu.memory_space<hbm>>
      tpu.wait_dma2 semaphore(%run_scoped3A : memref<!tpu.dma_semaphore, #tpu.memory_space<semaphore_mem>>) src(%dma_wait3A_11 : memref<640x128xf32, #tpu.memory_space<hbm>>) dst(%dma_wait3A_9 : memref<640x128xf32, #tpu.memory_space<vmem_shared>>)
      tpu.yield
    }) : () -> ()
    "tpu.region"() ({
      %run_scoped3A = tpu.sem_alloc : memref<!tpu.dma_semaphore, #tpu.memory_space<semaphore_mem>>
      %dma_start3A = arith.constant 0 : i32
      %dma_start3A_6 = arith.constant 0 : i32
      %dma_start3A_7 = tpu.memref_slice %arg3[%arg0, %arg1, %dma_start3A, %dma_start3A_6] : memref<2x16x79x128xi32, #tpu.memory_space<hbm>> -> memref<1x1x79x128xi32, #tpu.memory_space<hbm>>
      %dma_start3A_8 = tpu.memref_squeeze %dma_start3A_7 : memref<1x1x79x128xi32, #tpu.memory_space<hbm>> -> memref<79x128xi32, #tpu.memory_space<hbm>>
      %dma_start3A_9 = arith.constant 0 : i32
      %dma_start3A_10 = arith.constant 0 : i32
      %dma_start3A_11 = tpu.memref_slice %arg3[%arg0, %arg1, %dma_start3A_9, %dma_start3A_10] : memref<2x16x79x128xi32, #tpu.memory_space<hbm>> -> memref<1x1x79x128xi32, #tpu.memory_space<hbm>>
      %dma_start3A_12 = tpu.memref_squeeze %dma_start3A_11 : memref<1x1x79x128xi32, #tpu.memory_space<hbm>> -> memref<79x128xi32, #tpu.memory_space<hbm>>
      tpu.enqueue_dma source(%dma_start3A_12 : memref<79x128xi32, #tpu.memory_space<hbm>>) target(%arg7 : memref<79x128xi32, #tpu.memory_space<vmem>>) target_semaphore(%run_scoped3A : memref<!tpu.dma_semaphore, #tpu.memory_space<semaphore_mem>>)
      %dma_wait3A = arith.constant 0 : i32
      %dma_wait3A_13 = arith.constant 0 : i32
      %dma_wait3A_14 = tpu.memref_slice %arg3[%arg0, %arg1, %dma_wait3A, %dma_wait3A_13] : memref<2x16x79x128xi32, #tpu.memory_space<hbm>> -> memref<1x1x79x128xi32, #tpu.memory_space<hbm>>
      %dma_wait3A_15 = tpu.memref_squeeze %dma_wait3A_14 : memref<1x1x79x128xi32, #tpu.memory_space<hbm>> -> memref<79x128xi32, #tpu.memory_space<hbm>>
      %dma_wait3A_16 = arith.constant 0 : i32
      %dma_wait3A_17 = arith.constant 0 : i32
      %dma_wait3A_18 = tpu.memref_slice %arg3[%arg0, %arg1, %dma_wait3A_16, %dma_wait3A_17] : memref<2x16x79x128xi32, #tpu.memory_space<hbm>> -> memref<1x1x79x128xi32, #tpu.memory_space<hbm>>
      %dma_wait3A_19 = tpu.memref_squeeze %dma_wait3A_18 : memref<1x1x79x128xi32, #tpu.memory_space<hbm>> -> memref<79x128xi32, #tpu.memory_space<hbm>>
      tpu.wait_dma2 semaphore(%run_scoped3A : memref<!tpu.dma_semaphore, #tpu.memory_space<semaphore_mem>>) src(%dma_wait3A_19 : memref<79x128xi32, #tpu.memory_space<hbm>>) dst(%arg7 : memref<79x128xi32, #tpu.memory_space<vmem>>)
      tpu.yield
    }) : () -> ()
    "tpu.region"() ({
      %run_scoped3A = tpu.sem_alloc : memref<!tpu.dma_semaphore, #tpu.memory_space<semaphore_mem>>
      %dma_start3A = arith.constant 0 : i32
      %dma_start3A_6 = arith.constant 0 : i32
      %dma_start3A_7 = tpu.memref_slice %arg4[%arg0, %arg1, %dma_start3A, %dma_start3A_6] : memref<2x16x79x128xi32, #tpu.memory_space<hbm>> -> memref<1x1x79x128xi32, #tpu.memory_space<hbm>>
      %dma_start3A_8 = tpu.memref_squeeze %dma_start3A_7 : memref<1x1x79x128xi32, #tpu.memory_space<hbm>> -> memref<79x128xi32, #tpu.memory_space<hbm>>
      %dma_start3A_9 = arith.constant 0 : i32
      %dma_start3A_10 = arith.constant 0 : i32
      %dma_start3A_11 = tpu.memref_slice %arg4[%arg0, %arg1, %dma_start3A_9, %dma_start3A_10] : memref<2x16x79x128xi32, #tpu.memory_space<hbm>> -> memref<1x1x79x128xi32, #tpu.memory_space<hbm>>
      %dma_start3A_12 = tpu.memref_squeeze %dma_start3A_11 : memref<1x1x79x128xi32, #tpu.memory_space<hbm>> -> memref<79x128xi32, #tpu.memory_space<hbm>>
      tpu.enqueue_dma source(%dma_start3A_12 : memref<79x128xi32, #tpu.memory_space<hbm>>) target(%arg8 : memref<79x128xi32, #tpu.memory_space<vmem>>) target_semaphore(%run_scoped3A : memref<!tpu.dma_semaphore, #tpu.memory_space<semaphore_mem>>)
      %dma_wait3A = arith.constant 0 : i32
      %dma_wait3A_13 = arith.constant 0 : i32
      %dma_wait3A_14 = tpu.memref_slice %arg4[%arg0, %arg1, %dma_wait3A, %dma_wait3A_13] : memref<2x16x79x128xi32, #tpu.memory_space<hbm>> -> memref<1x1x79x128xi32, #tpu.memory_space<hbm>>
      %dma_wait3A_15 = tpu.memref_squeeze %dma_wait3A_14 : memref<1x1x79x128xi32, #tpu.memory_space<hbm>> -> memref<79x128xi32, #tpu.memory_space<hbm>>
      %dma_wait3A_16 = arith.constant 0 : i32
      %dma_wait3A_17 = arith.constant 0 : i32
      %dma_wait3A_18 = tpu.memref_slice %arg4[%arg0, %arg1, %dma_wait3A_16, %dma_wait3A_17] : memref<2x16x79x128xi32, #tpu.memory_space<hbm>> -> memref<1x1x79x128xi32, #tpu.memory_space<hbm>>
      %dma_wait3A_19 = tpu.memref_squeeze %dma_wait3A_18 : memref<1x1x79x128xi32, #tpu.memory_space<hbm>> -> memref<79x128xi32, #tpu.memory_space<hbm>>
      tpu.wait_dma2 semaphore(%run_scoped3A : memref<!tpu.dma_semaphore, #tpu.memory_space<semaphore_mem>>) src(%dma_wait3A_19 : memref<79x128xi32, #tpu.memory_space<hbm>>) dst(%arg8 : memref<79x128xi32, #tpu.memory_space<vmem>>)
      tpu.yield
    }) : () -> ()
    %barrier3A = arith.constant 0 : index
    tpu.barrier barrier_id(%barrier3A)
    %scan3A = arith.constant 0 : i32
    %scan3A_1 = arith.constant 79 : i32
    %scan3A_2 = arith.addi %scan3A, %scan3A_1 : i32
    %scan3A_3 = arith.constant 1 : i32
    scf.for %scan3A_6 = %scan3A to %scan3A_2 step %scan3A_3  : i32 {
      %mul3A_7 = arith.constant 1 : i32
      %mul3A_8 = arith.muli %scan3A_6, %mul3A_7 : i32
      %add3A = arith.constant 0 : i32
      %add3A_9 = arith.addi %add3A, %mul3A_8 : i32
      %dma_start3A = arith.constant 0 : i32
      %dma_start3A_10 = tpu.memref_slice %arg7[%add3A_9, %dma_start3A] : memref<79x128xi32, #tpu.memory_space<vmem>> -> memref<1x128xi32, #tpu.memory_space<vmem>>
      %dma_start3A_11 = tpu.memref_squeeze %dma_start3A_10 : memref<1x128xi32, #tpu.memory_space<vmem>> -> memref<128xi32, #tpu.memory_space<vmem>>
      %dma_start3A_12 = arith.constant 0 : i32
      %dma_start3A_13 = arith.constant 0 : i32
      %dma_start3A_14 = tpu.memref_slice %arg2[%dma_start3A_12, %dma_start3A_13] : memref<10000x128xf32, #tpu.memory_space<hbm>> -> memref<10000x128xf32, #tpu.memory_space<hbm>>
      tpu.enqueue_indirect_dma source(%dma_start3A_14 : memref<10000x128xf32, #tpu.memory_space<hbm>>) target(%arg9 : memref<128x128xf32, #tpu.memory_space<vmem>>) offsets(%dma_start3A_11 : memref<128xi32, #tpu.memory_space<vmem>>) semaphore(%arg11 : memref<!tpu.dma_semaphore, #tpu.memory_space<semaphore_mem>>)
      %dma_wait3A = arith.constant 0 : i32
      %dma_wait3A_15 = tpu.memref_slice %arg7[%add3A_9, %dma_wait3A] : memref<79x128xi32, #tpu.memory_space<vmem>> -> memref<1x128xi32, #tpu.memory_space<vmem>>
      %dma_wait3A_16 = tpu.memref_squeeze %dma_wait3A_15 : memref<1x128xi32, #tpu.memory_space<vmem>> -> memref<128xi32, #tpu.memory_space<vmem>>
      %dma_wait3A_17 = arith.constant 0 : i32
      %dma_wait3A_18 = arith.constant 0 : i32
      %dma_wait3A_19 = tpu.memref_slice %arg2[%dma_wait3A_17, %dma_wait3A_18] : memref<10000x128xf32, #tpu.memory_space<hbm>> -> memref<10000x128xf32, #tpu.memory_space<hbm>>
      tpu.wait_indirect_dma semaphore(%arg11 : memref<!tpu.dma_semaphore, #tpu.memory_space<semaphore_mem>>) src(%dma_wait3A_19 : memref<10000x128xf32, #tpu.memory_space<hbm>>) dst(%arg9 : memref<128x128xf32, #tpu.memory_space<vmem>>)
      "tpu.region"() ({
        %run_scoped3A = tpu.sem_alloc : memref<!tpu.dma_semaphore, #tpu.memory_space<semaphore_mem>>
        %dma_start3A_20 = arith.constant 0 : i32
        %dma_start3A_21 = tpu.memref_slice %arg8[%add3A_9, %dma_start3A_20] : memref<79x128xi32, #tpu.memory_space<vmem>> -> memref<1x128xi32, #tpu.memory_space<vmem>>
        %dma_start3A_22 = tpu.memref_squeeze %dma_start3A_21 : memref<1x128xi32, #tpu.memory_space<vmem>> -> memref<128xi32, #tpu.memory_space<vmem>>
        %dma_start3A_23 = arith.constant 0 : i32
        %dma_start3A_24 = arith.constant 0 : i32
        %dma_start3A_25 = tpu.memref_slice %arg10[%dma_start3A_23, %dma_start3A_24] : memref<10240x128xf32, #tpu.memory_space<vmem_shared>> -> memref<10240x128xf32, #tpu.memory_space<vmem_shared>>
        tpu.enqueue_indirect_dma source(%arg9 : memref<128x128xf32, #tpu.memory_space<vmem>>) target(%dma_start3A_25 : memref<10240x128xf32, #tpu.memory_space<vmem_shared>>) offsets(%dma_start3A_22 : memref<128xi32, #tpu.memory_space<vmem>>) semaphore(%run_scoped3A : memref<!tpu.dma_semaphore, #tpu.memory_space<semaphore_mem>>) {add = true}
        %dma_wait3A_26 = arith.constant 0 : i32
        %dma_wait3A_27 = tpu.memref_slice %arg8[%add3A_9, %dma_wait3A_26] : memref<79x128xi32, #tpu.memory_space<vmem>> -> memref<1x128xi32, #tpu.memory_space<vmem>>
        %dma_wait3A_28 = tpu.memref_squeeze %dma_wait3A_27 : memref<1x128xi32, #tpu.memory_space<vmem>> -> memref<128xi32, #tpu.memory_space<vmem>>
        %dma_wait3A_29 = arith.constant 0 : i32
        %dma_wait3A_30 = arith.constant 0 : i32
        %dma_wait3A_31 = tpu.memref_slice %arg10[%dma_wait3A_29, %dma_wait3A_30] : memref<10240x128xf32, #tpu.memory_space<vmem_shared>> -> memref<10240x128xf32, #tpu.memory_space<vmem_shared>>
        tpu.wait_indirect_dma semaphore(%run_scoped3A : memref<!tpu.dma_semaphore, #tpu.memory_space<semaphore_mem>>) src(%arg9 : memref<128x128xf32, #tpu.memory_space<vmem>>) dst(%dma_wait3A_31 : memref<10240x128xf32, #tpu.memory_space<vmem_shared>>)
        tpu.yield
      }) : () -> ()
    }
    %scan3A_4 = arith.constant 79 : i32
    %barrier3A_5 = arith.constant 0 : index
    tpu.barrier barrier_id(%barrier3A_5)
    "tpu.region"() ({
      %run_scoped3A = tpu.sem_alloc : memref<!tpu.dma_semaphore, #tpu.memory_space<semaphore_mem>>
      %dma_start3A = arith.constant 0 : i32
      %dma_start3A_6 = tpu.memref_slice %arg6[%arg0, %mul3A_0, %dma_start3A] : memref<2x10240x128xf32, #tpu.memory_space<hbm>> -> memref<1x640x128xf32, #tpu.memory_space<hbm>>
      %dma_start3A_7 = tpu.memref_squeeze %dma_start3A_6 : memref<1x640x128xf32, #tpu.memory_space<hbm>> -> memref<640x128xf32, #tpu.memory_space<hbm>>
      %dma_start3A_8 = arith.constant 0 : i32
      %dma_start3A_9 = tpu.memref_slice %arg10[%mul3A_0, %dma_start3A_8] : memref<10240x128xf32, #tpu.memory_space<vmem_shared>> -> memref<640x128xf32, #tpu.memory_space<vmem_shared>>
      tpu.enqueue_dma source(%dma_start3A_9 : memref<640x128xf32, #tpu.memory_space<vmem_shared>>) target(%dma_start3A_7 : memref<640x128xf32, #tpu.memory_space<hbm>>) target_semaphore(%run_scoped3A : memref<!tpu.dma_semaphore, #tpu.memory_space<semaphore_mem>>)
      %dma_wait3A = arith.constant 0 : i32
      %dma_wait3A_10 = tpu.memref_slice %arg6[%arg0, %mul3A_0, %dma_wait3A] : memref<2x10240x128xf32, #tpu.memory_space<hbm>> -> memref<1x640x128xf32, #tpu.memory_space<hbm>>
      %dma_wait3A_11 = tpu.memref_squeeze %dma_wait3A_10 : memref<1x640x128xf32, #tpu.memory_space<hbm>> -> memref<640x128xf32, #tpu.memory_space<hbm>>
      %dma_wait3A_12 = arith.constant 0 : i32
      %dma_wait3A_13 = tpu.memref_slice %arg10[%mul3A_0, %dma_wait3A_12] : memref<10240x128xf32, #tpu.memory_space<vmem_shared>> -> memref<640x128xf32, #tpu.memory_space<vmem_shared>>
      tpu.wait_dma2 semaphore(%run_scoped3A : memref<!tpu.dma_semaphore, #tpu.memory_space<semaphore_mem>>) src(%dma_wait3A_13 : memref<640x128xf32, #tpu.memory_space<vmem_shared>>) dst(%dma_wait3A_11 : memref<640x128xf32, #tpu.memory_space<hbm>>)
      tpu.yield
    }) : () -> ()
    return
  }
}

#map = affine_map<(d0, d1) -> (0, 0, 0, 0)>
#map1 = affine_map<(d0, d1) -> (0, 0)>
module attributes {stable_mosaic.version = 14 : i64} {
  func.func @k(%arg0: i32, %arg1: i32, %arg2: memref<2x16x79x128xi32, #tpu.memory_space<hbm>>, %arg3: memref<2x10240xf32, #tpu.memory_space<hbm>>, %arg4: memref<79x128xi32, #tpu.memory_space<vmem>>, %arg5: memref<1x10240xf32, #tpu.memory_space<vmem>>, %arg6: memref<16x640xf32, #tpu.memory_space<vmem>>, %arg7: memref<1x640xf32, #tpu.memory_space<vmem>>, %arg8: memref<16x10240xf32, #tpu.memory_space<vmem_shared>>) attributes {dimension_semantics = [#tpu.dimension_semantics<core_parallel>, #tpu.dimension_semantics<subcore_parallel>], iteration_bounds = array<i64: 2, 16>, scalar_prefetch = 0 : i64, scratch_operands = 5 : i64, tpu.core_type = #tpu.core_type<sc_vector_subcore>, window_params = [{transform_indices = #map}, {transform_indices = #map1}]} {
    %mul3A = arith.constant 640 : i32
    %mul3A_0 = arith.muli %arg1, %mul3A : i32
    "tpu.region"() ({
      %run_scoped3A = tpu.sem_alloc : memref<!tpu.dma_semaphore, #tpu.memory_space<semaphore_mem>>
      %dma_start3A = arith.constant 0 : i32
      %dma_start3A_18 = arith.constant 0 : i32
      %dma_start3A_19 = tpu.memref_slice %arg2[%arg0, %arg1, %dma_start3A, %dma_start3A_18] : memref<2x16x79x128xi32, #tpu.memory_space<hbm>> -> memref<1x1x79x128xi32, #tpu.memory_space<hbm>>
      %dma_start3A_20 = tpu.memref_squeeze %dma_start3A_19 : memref<1x1x79x128xi32, #tpu.memory_space<hbm>> -> memref<79x128xi32, #tpu.memory_space<hbm>>
      %dma_start3A_21 = arith.constant 0 : i32
      %dma_start3A_22 = arith.constant 0 : i32
      %dma_start3A_23 = tpu.memref_slice %arg2[%arg0, %arg1, %dma_start3A_21, %dma_start3A_22] : memref<2x16x79x128xi32, #tpu.memory_space<hbm>> -> memref<1x1x79x128xi32, #tpu.memory_space<hbm>>
      %dma_start3A_24 = tpu.memref_squeeze %dma_start3A_23 : memref<1x1x79x128xi32, #tpu.memory_space<hbm>> -> memref<79x128xi32, #tpu.memory_space<hbm>>
      tpu.enqueue_dma source(%dma_start3A_24 : memref<79x128xi32, #tpu.memory_space<hbm>>) target(%arg4 : memref<79x128xi32, #tpu.memory_space<vmem>>) target_semaphore(%run_scoped3A : memref<!tpu.dma_semaphore, #tpu.memory_space<semaphore_mem>>)
      %dma_wait3A = arith.constant 0 : i32
      %dma_wait3A_25 = arith.constant 0 : i32
      %dma_wait3A_26 = tpu.memref_slice %arg2[%arg0, %arg1, %dma_wait3A, %dma_wait3A_25] : memref<2x16x79x128xi32, #tpu.memory_space<hbm>> -> memref<1x1x79x128xi32, #tpu.memory_space<hbm>>
      %dma_wait3A_27 = tpu.memref_squeeze %dma_wait3A_26 : memref<1x1x79x128xi32, #tpu.memory_space<hbm>> -> memref<79x128xi32, #tpu.memory_space<hbm>>
      %dma_wait3A_28 = arith.constant 0 : i32
      %dma_wait3A_29 = arith.constant 0 : i32
      %dma_wait3A_30 = tpu.memref_slice %arg2[%arg0, %arg1, %dma_wait3A_28, %dma_wait3A_29] : memref<2x16x79x128xi32, #tpu.memory_space<hbm>> -> memref<1x1x79x128xi32, #tpu.memory_space<hbm>>
      %dma_wait3A_31 = tpu.memref_squeeze %dma_wait3A_30 : memref<1x1x79x128xi32, #tpu.memory_space<hbm>> -> memref<79x128xi32, #tpu.memory_space<hbm>>
      tpu.wait_dma2 semaphore(%run_scoped3A : memref<!tpu.dma_semaphore, #tpu.memory_space<semaphore_mem>>) src(%dma_wait3A_31 : memref<79x128xi32, #tpu.memory_space<hbm>>) dst(%arg4 : memref<79x128xi32, #tpu.memory_space<vmem>>)
      tpu.yield
    }) : () -> ()
    %scan3A = arith.constant 0 : i32
    %scan3A_1 = arith.constant 640 : i32
    %scan3A_2 = arith.addi %scan3A, %scan3A_1 : i32
    %scan3A_3 = arith.constant 1 : i32
    scf.for %scan3A_18 = %scan3A to %scan3A_2 step %scan3A_3  : i32 {
      %mul3A_19 = arith.constant 1 : i32
      %mul3A_20 = arith.muli %scan3A_18, %mul3A_19 : i32
      %add3A = arith.constant 0 : i32
      %add3A_21 = arith.addi %add3A, %mul3A_20 : i32
      %broadcast_in_dim3A_22 = arith.constant 0.000000e+00 : f32
      %broadcast_in_dim3A_23 = vector.broadcast %broadcast_in_dim3A_22 : f32 to vector<16xf32>
      %mul3A_24 = arith.constant 16 : i32
      %mul3A_25 = arith.muli %add3A_21, %mul3A_24 : i32
      %swap3A = arith.constant 0 : i32
      %swap3A_26 = arith.index_cast %swap3A : i32 to index
      %swap3A_27 = arith.index_cast %mul3A_25 : i32 to index
      %swap3A_28 = tpu.vector_load %arg5[%swap3A_26, %swap3A_27] {strides = array<i32>} : memref<1x10240xf32, #tpu.memory_space<vmem>>, vector<16xf32>,
      tpu.vector_store %arg5[%swap3A_26, %swap3A_27], %broadcast_in_dim3A_23 {strides = array<i32>} : memref<1x10240xf32, #tpu.memory_space<vmem>>, vector<16xf32>,
    }
    %scan3A_4 = arith.constant 640 : i32
    %broadcast_in_dim3A = arith.constant 1.000000e+00 : f32
    %broadcast_in_dim3A_5 = vector.broadcast %broadcast_in_dim3A : f32 to vector<16xf32>
    %broadcast_in_dim3A_6 = arith.constant 0 : i32
    %broadcast_in_dim3A_7 = vector.broadcast %broadcast_in_dim3A_6 : i32 to vector<16xi32>
    %scan3A_8 = arith.constant 0 : i32
    %scan3A_9 = arith.constant 79 : i32
    %scan3A_10 = arith.addi %scan3A_8, %scan3A_9 : i32
    %scan3A_11 = arith.constant 1 : i32
    scf.for %scan3A_18 = %scan3A_8 to %scan3A_10 step %scan3A_11  : i32 {
      %mul3A_19 = arith.constant 1 : i32
      %mul3A_20 = arith.muli %scan3A_18, %mul3A_19 : i32
      %add3A = arith.constant 0 : i32
      %add3A_21 = arith.addi %add3A, %mul3A_20 : i32
      %get3A = arith.constant 0 : i32
      %get3A_22 = tpu.memref_slice %arg4[%add3A_21, %get3A] : memref<79x128xi32, #tpu.memory_space<vmem>> -> memref<1x128xi32, #tpu.memory_space<vmem>>
      %get3A_23 = tpu.memref_squeeze %get3A_22 : memref<1x128xi32, #tpu.memory_space<vmem>> -> memref<128xi32, #tpu.memory_space<vmem>>
      %get3A_24 = arith.constant 0 : index
      %get3A_25 = tpu.vector_load %get3A_23[%get3A_24] {strides = array<i32>} : memref<128xi32, #tpu.memory_space<vmem>>, vector<16xi32>,
      tpu.vector_store_idx %arg5[%broadcast_in_dim3A_7, %get3A_25], %broadcast_in_dim3A_5 {add = true} : memref<1x10240xf32, #tpu.memory_space<vmem>>[vector<16xi32>, vector<16xi32>], vector<16xf32>,
      %get3A_26 = arith.constant 0 : i32
      %get3A_27 = tpu.memref_slice %arg4[%add3A_21, %get3A_26] : memref<79x128xi32, #tpu.memory_space<vmem>> -> memref<1x128xi32, #tpu.memory_space<vmem>>
      %get3A_28 = tpu.memref_squeeze %get3A_27 : memref<1x128xi32, #tpu.memory_space<vmem>> -> memref<128xi32, #tpu.memory_space<vmem>>
      %get3A_29 = arith.constant 16 : index
      %get3A_30 = tpu.vector_load %get3A_28[%get3A_29] {strides = array<i32>} : memref<128xi32, #tpu.memory_space<vmem>>, vector<16xi32>,
      tpu.vector_store_idx %arg5[%broadcast_in_dim3A_7, %get3A_30], %broadcast_in_dim3A_5 {add = true} : memref<1x10240xf32, #tpu.memory_space<vmem>>[vector<16xi32>, vector<16xi32>], vector<16xf32>,
      %get3A_31 = arith.constant 0 : i32
      %get3A_32 = tpu.memref_slice %arg4[%add3A_21, %get3A_31] : memref<79x128xi32, #tpu.memory_space<vmem>> -> memref<1x128xi32, #tpu.memory_space<vmem>>
      %get3A_33 = tpu.memref_squeeze %get3A_32 : memref<1x128xi32, #tpu.memory_space<vmem>> -> memref<128xi32, #tpu.memory_space<vmem>>
      %get3A_34 = arith.constant 32 : index
      %get3A_35 = tpu.vector_load %get3A_33[%get3A_34] {strides = array<i32>} : memref<128xi32, #tpu.memory_space<vmem>>, vector<16xi32>,
      tpu.vector_store_idx %arg5[%broadcast_in_dim3A_7, %get3A_35], %broadcast_in_dim3A_5 {add = true} : memref<1x10240xf32, #tpu.memory_space<vmem>>[vector<16xi32>, vector<16xi32>], vector<16xf32>,
      %get3A_36 = arith.constant 0 : i32
      %get3A_37 = tpu.memref_slice %arg4[%add3A_21, %get3A_36] : memref<79x128xi32, #tpu.memory_space<vmem>> -> memref<1x128xi32, #tpu.memory_space<vmem>>
      %get3A_38 = tpu.memref_squeeze %get3A_37 : memref<1x128xi32, #tpu.memory_space<vmem>> -> memref<128xi32, #tpu.memory_space<vmem>>
      %get3A_39 = arith.constant 48 : index
      %get3A_40 = tpu.vector_load %get3A_38[%get3A_39] {strides = array<i32>} : memref<128xi32, #tpu.memory_space<vmem>>, vector<16xi32>,
      tpu.vector_store_idx %arg5[%broadcast_in_dim3A_7, %get3A_40], %broadcast_in_dim3A_5 {add = true} : memref<1x10240xf32, #tpu.memory_space<vmem>>[vector<16xi32>, vector<16xi32>], vector<16xf32>,
      %get3A_41 = arith.constant 0 : i32
      %get3A_42 = tpu.memref_slice %arg4[%add3A_21, %get3A_41] : memref<79x128xi32, #tpu.memory_space<vmem>> -> memref<1x128xi32, #tpu.memory_space<vmem>>
      %get3A_43 = tpu.memref_squeeze %get3A_42 : memref<1x128xi32, #tpu.memory_space<vmem>> -> memref<128xi32, #tpu.memory_space<vmem>>
      %get3A_44 = arith.constant 64 : index
      %get3A_45 = tpu.vector_load %get3A_43[%get3A_44] {strides = array<i32>} : memref<128xi32, #tpu.memory_space<vmem>>, vector<16xi32>,
      tpu.vector_store_idx %arg5[%broadcast_in_dim3A_7, %get3A_45], %broadcast_in_dim3A_5 {add = true} : memref<1x10240xf32, #tpu.memory_space<vmem>>[vector<16xi32>, vector<16xi32>], vector<16xf32>,
      %get3A_46 = arith.constant 0 : i32
      %get3A_47 = tpu.memref_slice %arg4[%add3A_21, %get3A_46] : memref<79x128xi32, #tpu.memory_space<vmem>> -> memref<1x128xi32, #tpu.memory_space<vmem>>
      %get3A_48 = tpu.memref_squeeze %get3A_47 : memref<1x128xi32, #tpu.memory_space<vmem>> -> memref<128xi32, #tpu.memory_space<vmem>>
      %get3A_49 = arith.constant 80 : index
      %get3A_50 = tpu.vector_load %get3A_48[%get3A_49] {strides = array<i32>} : memref<128xi32, #tpu.memory_space<vmem>>, vector<16xi32>,
      tpu.vector_store_idx %arg5[%broadcast_in_dim3A_7, %get3A_50], %broadcast_in_dim3A_5 {add = true} : memref<1x10240xf32, #tpu.memory_space<vmem>>[vector<16xi32>, vector<16xi32>], vector<16xf32>,
      %get3A_51 = arith.constant 0 : i32
      %get3A_52 = tpu.memref_slice %arg4[%add3A_21, %get3A_51] : memref<79x128xi32, #tpu.memory_space<vmem>> -> memref<1x128xi32, #tpu.memory_space<vmem>>
      %get3A_53 = tpu.memref_squeeze %get3A_52 : memref<1x128xi32, #tpu.memory_space<vmem>> -> memref<128xi32, #tpu.memory_space<vmem>>
      %get3A_54 = arith.constant 96 : index
      %get3A_55 = tpu.vector_load %get3A_53[%get3A_54] {strides = array<i32>} : memref<128xi32, #tpu.memory_space<vmem>>, vector<16xi32>,
      tpu.vector_store_idx %arg5[%broadcast_in_dim3A_7, %get3A_55], %broadcast_in_dim3A_5 {add = true} : memref<1x10240xf32, #tpu.memory_space<vmem>>[vector<16xi32>, vector<16xi32>], vector<16xf32>,
      %get3A_56 = arith.constant 0 : i32
      %get3A_57 = tpu.memref_slice %arg4[%add3A_21, %get3A_56] : memref<79x128xi32, #tpu.memory_space<vmem>> -> memref<1x128xi32, #tpu.memory_space<vmem>>
      %get3A_58 = tpu.memref_squeeze %get3A_57 : memref<1x128xi32, #tpu.memory_space<vmem>> -> memref<128xi32, #tpu.memory_space<vmem>>
      %get3A_59 = arith.constant 112 : index
      %get3A_60 = tpu.vector_load %get3A_58[%get3A_59] {strides = array<i32>} : memref<128xi32, #tpu.memory_space<vmem>>, vector<16xi32>,
      tpu.vector_store_idx %arg5[%broadcast_in_dim3A_7, %get3A_60], %broadcast_in_dim3A_5 {add = true} : memref<1x10240xf32, #tpu.memory_space<vmem>>[vector<16xi32>, vector<16xi32>], vector<16xf32>,
    }
    %scan3A_12 = arith.constant 79 : i32
    "tpu.region"() ({
      %run_scoped3A = tpu.sem_alloc : memref<!tpu.dma_semaphore, #tpu.memory_space<semaphore_mem>>
      %dma_start3A = arith.constant 0 : i32
      %dma_start3A_18 = tpu.memref_slice %arg8[%arg1, %dma_start3A] : memref<16x10240xf32, #tpu.memory_space<vmem_shared>> -> memref<1x10240xf32, #tpu.memory_space<vmem_shared>>
      %dma_start3A_19 = arith.constant 0 : i32
      %dma_start3A_20 = tpu.memref_slice %arg8[%arg1, %dma_start3A_19] : memref<16x10240xf32, #tpu.memory_space<vmem_shared>> -> memref<1x10240xf32, #tpu.memory_space<vmem_shared>>
      tpu.enqueue_dma source(%arg5 : memref<1x10240xf32, #tpu.memory_space<vmem>>) target(%dma_start3A_20 : memref<1x10240xf32, #tpu.memory_space<vmem_shared>>) target_semaphore(%run_scoped3A : memref<!tpu.dma_semaphore, #tpu.memory_space<semaphore_mem>>)
      %dma_wait3A = arith.constant 0 : i32
      %dma_wait3A_21 = tpu.memref_slice %arg8[%arg1, %dma_wait3A] : memref<16x10240xf32, #tpu.memory_space<vmem_shared>> -> memref<1x10240xf32, #tpu.memory_space<vmem_shared>>
      %dma_wait3A_22 = arith.constant 0 : i32
      %dma_wait3A_23 = tpu.memref_slice %arg8[%arg1, %dma_wait3A_22] : memref<16x10240xf32, #tpu.memory_space<vmem_shared>> -> memref<1x10240xf32, #tpu.memory_space<vmem_shared>>
      tpu.wait_dma2 semaphore(%run_scoped3A : memref<!tpu.dma_semaphore, #tpu.memory_space<semaphore_mem>>) src(%arg5 : memref<1x10240xf32, #tpu.memory_space<vmem>>) dst(%dma_wait3A_23 : memref<1x10240xf32, #tpu.memory_space<vmem_shared>>)
      tpu.yield
    }) : () -> ()
    %barrier3A = arith.constant 0 : index
    tpu.barrier barrier_id(%barrier3A)
    "tpu.region"() ({
      %run_scoped3A = tpu.sem_alloc : memref<!tpu.dma_semaphore, #tpu.memory_space<semaphore_mem>>
      %dma_start3A = arith.constant 0 : i32
      %dma_start3A_18 = arith.constant 0 : i32
      %dma_start3A_19 = tpu.memref_slice %arg6[%dma_start3A, %dma_start3A_18] : memref<16x640xf32, #tpu.memory_space<vmem>> -> memref<1x640xf32, #tpu.memory_space<vmem>>
      %dma_start3A_20 = arith.constant 0 : i32
      %dma_start3A_21 = tpu.memref_slice %arg8[%dma_start3A_20, %mul3A_0] : memref<16x10240xf32, #tpu.memory_space<vmem_shared>> -> memref<1x640xf32, #tpu.memory_space<vmem_shared>>
      %dma_start3A_22 = arith.constant 0 : i32
      %dma_start3A_23 = arith.constant 0 : i32
      %dma_start3A_24 = tpu.memref_slice %arg6[%dma_start3A_22, %dma_start3A_23] : memref<16x640xf32, #tpu.memory_space<vmem>> -> memref<1x640xf32, #tpu.memory_space<vmem>>
      %dma_start3A_25 = arith.constant 0 : i32
      %dma_start3A_26 = tpu.memref_slice %arg8[%dma_start3A_25, %mul3A_0] : memref<16x10240xf32, #tpu.memory_space<vmem_shared>> -> memref<1x640xf32, #tpu.memory_space<vmem_shared>>
      tpu.enqueue_dma source(%dma_start3A_26 : memref<1x640xf32, #tpu.memory_space<vmem_shared>>) target(%dma_start3A_24 : memref<1x640xf32, #tpu.memory_space<vmem>>) target_semaphore(%run_scoped3A : memref<!tpu.dma_semaphore, #tpu.memory_space<semaphore_mem>>)
      %dma_wait3A = arith.constant 0 : i32
      %dma_wait3A_27 = arith.constant 0 : i32
      %dma_wait3A_28 = tpu.memref_slice %arg6[%dma_wait3A, %dma_wait3A_27] : memref<16x640xf32, #tpu.memory_space<vmem>> -> memref<1x640xf32, #tpu.memory_space<vmem>>
      %dma_wait3A_29 = arith.constant 0 : i32
      %dma_wait3A_30 = tpu.memref_slice %arg8[%dma_wait3A_29, %mul3A_0] : memref<16x10240xf32, #tpu.memory_space<vmem_shared>> -> memref<1x640xf32, #tpu.memory_space<vmem_shared>>
      %dma_wait3A_31 = arith.constant 0 : i32
      %dma_wait3A_32 = arith.constant 0 : i32
      %dma_wait3A_33 = tpu.memref_slice %arg6[%dma_wait3A_31, %dma_wait3A_32] : memref<16x640xf32, #tpu.memory_space<vmem>> -> memref<1x640xf32, #tpu.memory_space<vmem>>
      %dma_wait3A_34 = arith.constant 0 : i32
      %dma_wait3A_35 = tpu.memref_slice %arg8[%dma_wait3A_34, %mul3A_0] : memref<16x10240xf32, #tpu.memory_space<vmem_shared>> -> memref<1x640xf32, #tpu.memory_space<vmem_shared>>
      tpu.wait_dma2 semaphore(%run_scoped3A : memref<!tpu.dma_semaphore, #tpu.memory_space<semaphore_mem>>) src(%dma_wait3A_35 : memref<1x640xf32, #tpu.memory_space<vmem_shared>>) dst(%dma_wait3A_33 : memref<1x640xf32, #tpu.memory_space<vmem>>)
      tpu.yield
    }) : () -> ()
    "tpu.region"() ({
      %run_scoped3A = tpu.sem_alloc : memref<!tpu.dma_semaphore, #tpu.memory_space<semaphore_mem>>
      %dma_start3A = arith.constant 1 : i32
      %dma_start3A_18 = arith.constant 0 : i32
      %dma_start3A_19 = tpu.memref_slice %arg6[%dma_start3A, %dma_start3A_18] : memref<16x640xf32, #tpu.memory_space<vmem>> -> memref<1x640xf32, #tpu.memory_space<vmem>>
      %dma_start3A_20 = arith.constant 1 : i32
      %dma_start3A_21 = tpu.memref_slice %arg8[%dma_start3A_20, %mul3A_0] : memref<16x10240xf32, #tpu.memory_space<vmem_shared>> -> memref<1x640xf32, #tpu.memory_space<vmem_shared>>
      %dma_start3A_22 = arith.constant 1 : i32
      %dma_start3A_23 = arith.constant 0 : i32
      %dma_start3A_24 = tpu.memref_slice %arg6[%dma_start3A_22, %dma_start3A_23] : memref<16x640xf32, #tpu.memory_space<vmem>> -> memref<1x640xf32, #tpu.memory_space<vmem>>
      %dma_start3A_25 = arith.constant 1 : i32
      %dma_start3A_26 = tpu.memref_slice %arg8[%dma_start3A_25, %mul3A_0] : memref<16x10240xf32, #tpu.memory_space<vmem_shared>> -> memref<1x640xf32, #tpu.memory_space<vmem_shared>>
      tpu.enqueue_dma source(%dma_start3A_26 : memref<1x640xf32, #tpu.memory_space<vmem_shared>>) target(%dma_start3A_24 : memref<1x640xf32, #tpu.memory_space<vmem>>) target_semaphore(%run_scoped3A : memref<!tpu.dma_semaphore, #tpu.memory_space<semaphore_mem>>)
      %dma_wait3A = arith.constant 1 : i32
      %dma_wait3A_27 = arith.constant 0 : i32
      %dma_wait3A_28 = tpu.memref_slice %arg6[%dma_wait3A, %dma_wait3A_27] : memref<16x640xf32, #tpu.memory_space<vmem>> -> memref<1x640xf32, #tpu.memory_space<vmem>>
      %dma_wait3A_29 = arith.constant 1 : i32
      %dma_wait3A_30 = tpu.memref_slice %arg8[%dma_wait3A_29, %mul3A_0] : memref<16x10240xf32, #tpu.memory_space<vmem_shared>> -> memref<1x640xf32, #tpu.memory_space<vmem_shared>>
      %dma_wait3A_31 = arith.constant 1 : i32
      %dma_wait3A_32 = arith.constant 0 : i32
      %dma_wait3A_33 = tpu.memref_slice %arg6[%dma_wait3A_31, %dma_wait3A_32] : memref<16x640xf32, #tpu.memory_space<vmem>> -> memref<1x640xf32, #tpu.memory_space<vmem>>
      %dma_wait3A_34 = arith.constant 1 : i32
      %dma_wait3A_35 = tpu.memref_slice %arg8[%dma_wait3A_34, %mul3A_0] : memref<16x10240xf32, #tpu.memory_space<vmem_shared>> -> memref<1x640xf32, #tpu.memory_space<vmem_shared>>
      tpu.wait_dma2 semaphore(%run_scoped3A : memref<!tpu.dma_semaphore, #tpu.memory_space<semaphore_mem>>) src(%dma_wait3A_35 : memref<1x640xf32, #tpu.memory_space<vmem_shared>>) dst(%dma_wait3A_33 : memref<1x640xf32, #tpu.memory_space<vmem>>)
      tpu.yield
    }) : () -> ()
    "tpu.region"() ({
      %run_scoped3A = tpu.sem_alloc : memref<!tpu.dma_semaphore, #tpu.memory_space<semaphore_mem>>
      %dma_start3A = arith.constant 2 : i32
      %dma_start3A_18 = arith.constant 0 : i32
      %dma_start3A_19 = tpu.memref_slice %arg6[%dma_start3A, %dma_start3A_18] : memref<16x640xf32, #tpu.memory_space<vmem>> -> memref<1x640xf32, #tpu.memory_space<vmem>>
      %dma_start3A_20 = arith.constant 2 : i32
      %dma_start3A_21 = tpu.memref_slice %arg8[%dma_start3A_20, %mul3A_0] : memref<16x10240xf32, #tpu.memory_space<vmem_shared>> -> memref<1x640xf32, #tpu.memory_space<vmem_shared>>
      %dma_start3A_22 = arith.constant 2 : i32
      %dma_start3A_23 = arith.constant 0 : i32
      %dma_start3A_24 = tpu.memref_slice %arg6[%dma_start3A_22, %dma_start3A_23] : memref<16x640xf32, #tpu.memory_space<vmem>> -> memref<1x640xf32, #tpu.memory_space<vmem>>
      %dma_start3A_25 = arith.constant 2 : i32
      %dma_start3A_26 = tpu.memref_slice %arg8[%dma_start3A_25, %mul3A_0] : memref<16x10240xf32, #tpu.memory_space<vmem_shared>> -> memref<1x640xf32, #tpu.memory_space<vmem_shared>>
      tpu.enqueue_dma source(%dma_start3A_26 : memref<1x640xf32, #tpu.memory_space<vmem_shared>>) target(%dma_start3A_24 : memref<1x640xf32, #tpu.memory_space<vmem>>) target_semaphore(%run_scoped3A : memref<!tpu.dma_semaphore, #tpu.memory_space<semaphore_mem>>)
      %dma_wait3A = arith.constant 2 : i32
      %dma_wait3A_27 = arith.constant 0 : i32
      %dma_wait3A_28 = tpu.memref_slice %arg6[%dma_wait3A, %dma_wait3A_27] : memref<16x640xf32, #tpu.memory_space<vmem>> -> memref<1x640xf32, #tpu.memory_space<vmem>>
      %dma_wait3A_29 = arith.constant 2 : i32
      %dma_wait3A_30 = tpu.memref_slice %arg8[%dma_wait3A_29, %mul3A_0] : memref<16x10240xf32, #tpu.memory_space<vmem_shared>> -> memref<1x640xf32, #tpu.memory_space<vmem_shared>>
      %dma_wait3A_31 = arith.constant 2 : i32
      %dma_wait3A_32 = arith.constant 0 : i32
      %dma_wait3A_33 = tpu.memref_slice %arg6[%dma_wait3A_31, %dma_wait3A_32] : memref<16x640xf32, #tpu.memory_space<vmem>> -> memref<1x640xf32, #tpu.memory_space<vmem>>
      %dma_wait3A_34 = arith.constant 2 : i32
      %dma_wait3A_35 = tpu.memref_slice %arg8[%dma_wait3A_34, %mul3A_0] : memref<16x10240xf32, #tpu.memory_space<vmem_shared>> -> memref<1x640xf32, #tpu.memory_space<vmem_shared>>
      tpu.wait_dma2 semaphore(%run_scoped3A : memref<!tpu.dma_semaphore, #tpu.memory_space<semaphore_mem>>) src(%dma_wait3A_35 : memref<1x640xf32, #tpu.memory_space<vmem_shared>>) dst(%dma_wait3A_33 : memref<1x640xf32, #tpu.memory_space<vmem>>)
      tpu.yield
    }) : () -> ()
    "tpu.region"() ({
      %run_scoped3A = tpu.sem_alloc : memref<!tpu.dma_semaphore, #tpu.memory_space<semaphore_mem>>
      %dma_start3A = arith.constant 3 : i32
      %dma_start3A_18 = arith.constant 0 : i32
      %dma_start3A_19 = tpu.memref_slice %arg6[%dma_start3A, %dma_start3A_18] : memref<16x640xf32, #tpu.memory_space<vmem>> -> memref<1x640xf32, #tpu.memory_space<vmem>>
      %dma_start3A_20 = arith.constant 3 : i32
      %dma_start3A_21 = tpu.memref_slice %arg8[%dma_start3A_20, %mul3A_0] : memref<16x10240xf32, #tpu.memory_space<vmem_shared>> -> memref<1x640xf32, #tpu.memory_space<vmem_shared>>
      %dma_start3A_22 = arith.constant 3 : i32
      %dma_start3A_23 = arith.constant 0 : i32
      %dma_start3A_24 = tpu.memref_slice %arg6[%dma_start3A_22, %dma_start3A_23] : memref<16x640xf32, #tpu.memory_space<vmem>> -> memref<1x640xf32, #tpu.memory_space<vmem>>
      %dma_start3A_25 = arith.constant 3 : i32
      %dma_start3A_26 = tpu.memref_slice %arg8[%dma_start3A_25, %mul3A_0] : memref<16x10240xf32, #tpu.memory_space<vmem_shared>> -> memref<1x640xf32, #tpu.memory_space<vmem_shared>>
      tpu.enqueue_dma source(%dma_start3A_26 : memref<1x640xf32, #tpu.memory_space<vmem_shared>>) target(%dma_start3A_24 : memref<1x640xf32, #tpu.memory_space<vmem>>) target_semaphore(%run_scoped3A : memref<!tpu.dma_semaphore, #tpu.memory_space<semaphore_mem>>)
      %dma_wait3A = arith.constant 3 : i32
      %dma_wait3A_27 = arith.constant 0 : i32
      %dma_wait3A_28 = tpu.memref_slice %arg6[%dma_wait3A, %dma_wait3A_27] : memref<16x640xf32, #tpu.memory_space<vmem>> -> memref<1x640xf32, #tpu.memory_space<vmem>>
      %dma_wait3A_29 = arith.constant 3 : i32
      %dma_wait3A_30 = tpu.memref_slice %arg8[%dma_wait3A_29, %mul3A_0] : memref<16x10240xf32, #tpu.memory_space<vmem_shared>> -> memref<1x640xf32, #tpu.memory_space<vmem_shared>>
      %dma_wait3A_31 = arith.constant 3 : i32
      %dma_wait3A_32 = arith.constant 0 : i32
      %dma_wait3A_33 = tpu.memref_slice %arg6[%dma_wait3A_31, %dma_wait3A_32] : memref<16x640xf32, #tpu.memory_space<vmem>> -> memref<1x640xf32, #tpu.memory_space<vmem>>
      %dma_wait3A_34 = arith.constant 3 : i32
      %dma_wait3A_35 = tpu.memref_slice %arg8[%dma_wait3A_34, %mul3A_0] : memref<16x10240xf32, #tpu.memory_space<vmem_shared>> -> memref<1x640xf32, #tpu.memory_space<vmem_shared>>
      tpu.wait_dma2 semaphore(%run_scoped3A : memref<!tpu.dma_semaphore, #tpu.memory_space<semaphore_mem>>) src(%dma_wait3A_35 : memref<1x640xf32, #tpu.memory_space<vmem_shared>>) dst(%dma_wait3A_33 : memref<1x640xf32, #tpu.memory_space<vmem>>)
      tpu.yield
    }) : () -> ()
    "tpu.region"() ({
      %run_scoped3A = tpu.sem_alloc : memref<!tpu.dma_semaphore, #tpu.memory_space<semaphore_mem>>
      %dma_start3A = arith.constant 4 : i32
      %dma_start3A_18 = arith.constant 0 : i32
      %dma_start3A_19 = tpu.memref_slice %arg6[%dma_start3A, %dma_start3A_18] : memref<16x640xf32, #tpu.memory_space<vmem>> -> memref<1x640xf32, #tpu.memory_space<vmem>>
      %dma_start3A_20 = arith.constant 4 : i32
      %dma_start3A_21 = tpu.memref_slice %arg8[%dma_start3A_20, %mul3A_0] : memref<16x10240xf32, #tpu.memory_space<vmem_shared>> -> memref<1x640xf32, #tpu.memory_space<vmem_shared>>
      %dma_start3A_22 = arith.constant 4 : i32
      %dma_start3A_23 = arith.constant 0 : i32
      %dma_start3A_24 = tpu.memref_slice %arg6[%dma_start3A_22, %dma_start3A_23] : memref<16x640xf32, #tpu.memory_space<vmem>> -> memref<1x640xf32, #tpu.memory_space<vmem>>
      %dma_start3A_25 = arith.constant 4 : i32
      %dma_start3A_26 = tpu.memref_slice %arg8[%dma_start3A_25, %mul3A_0] : memref<16x10240xf32, #tpu.memory_space<vmem_shared>> -> memref<1x640xf32, #tpu.memory_space<vmem_shared>>
      tpu.enqueue_dma source(%dma_start3A_26 : memref<1x640xf32, #tpu.memory_space<vmem_shared>>) target(%dma_start3A_24 : memref<1x640xf32, #tpu.memory_space<vmem>>) target_semaphore(%run_scoped3A : memref<!tpu.dma_semaphore, #tpu.memory_space<semaphore_mem>>)
      %dma_wait3A = arith.constant 4 : i32
      %dma_wait3A_27 = arith.constant 0 : i32
      %dma_wait3A_28 = tpu.memref_slice %arg6[%dma_wait3A, %dma_wait3A_27] : memref<16x640xf32, #tpu.memory_space<vmem>> -> memref<1x640xf32, #tpu.memory_space<vmem>>
      %dma_wait3A_29 = arith.constant 4 : i32
      %dma_wait3A_30 = tpu.memref_slice %arg8[%dma_wait3A_29, %mul3A_0] : memref<16x10240xf32, #tpu.memory_space<vmem_shared>> -> memref<1x640xf32, #tpu.memory_space<vmem_shared>>
      %dma_wait3A_31 = arith.constant 4 : i32
      %dma_wait3A_32 = arith.constant 0 : i32
      %dma_wait3A_33 = tpu.memref_slice %arg6[%dma_wait3A_31, %dma_wait3A_32] : memref<16x640xf32, #tpu.memory_space<vmem>> -> memref<1x640xf32, #tpu.memory_space<vmem>>
      %dma_wait3A_34 = arith.constant 4 : i32
      %dma_wait3A_35 = tpu.memref_slice %arg8[%dma_wait3A_34, %mul3A_0] : memref<16x10240xf32, #tpu.memory_space<vmem_shared>> -> memref<1x640xf32, #tpu.memory_space<vmem_shared>>
      tpu.wait_dma2 semaphore(%run_scoped3A : memref<!tpu.dma_semaphore, #tpu.memory_space<semaphore_mem>>) src(%dma_wait3A_35 : memref<1x640xf32, #tpu.memory_space<vmem_shared>>) dst(%dma_wait3A_33 : memref<1x640xf32, #tpu.memory_space<vmem>>)
      tpu.yield
    }) : () -> ()
    "tpu.region"() ({
      %run_scoped3A = tpu.sem_alloc : memref<!tpu.dma_semaphore, #tpu.memory_space<semaphore_mem>>
      %dma_start3A = arith.constant 5 : i32
      %dma_start3A_18 = arith.constant 0 : i32
      %dma_start3A_19 = tpu.memref_slice %arg6[%dma_start3A, %dma_start3A_18] : memref<16x640xf32, #tpu.memory_space<vmem>> -> memref<1x640xf32, #tpu.memory_space<vmem>>
      %dma_start3A_20 = arith.constant 5 : i32
      %dma_start3A_21 = tpu.memref_slice %arg8[%dma_start3A_20, %mul3A_0] : memref<16x10240xf32, #tpu.memory_space<vmem_shared>> -> memref<1x640xf32, #tpu.memory_space<vmem_shared>>
      %dma_start3A_22 = arith.constant 5 : i32
      %dma_start3A_23 = arith.constant 0 : i32
      %dma_start3A_24 = tpu.memref_slice %arg6[%dma_start3A_22, %dma_start3A_23] : memref<16x640xf32, #tpu.memory_space<vmem>> -> memref<1x640xf32, #tpu.memory_space<vmem>>
      %dma_start3A_25 = arith.constant 5 : i32
      %dma_start3A_26 = tpu.memref_slice %arg8[%dma_start3A_25, %mul3A_0] : memref<16x10240xf32, #tpu.memory_space<vmem_shared>> -> memref<1x640xf32, #tpu.memory_space<vmem_shared>>
      tpu.enqueue_dma source(%dma_start3A_26 : memref<1x640xf32, #tpu.memory_space<vmem_shared>>) target(%dma_start3A_24 : memref<1x640xf32, #tpu.memory_space<vmem>>) target_semaphore(%run_scoped3A : memref<!tpu.dma_semaphore, #tpu.memory_space<semaphore_mem>>)
      %dma_wait3A = arith.constant 5 : i32
      %dma_wait3A_27 = arith.constant 0 : i32
      %dma_wait3A_28 = tpu.memref_slice %arg6[%dma_wait3A, %dma_wait3A_27] : memref<16x640xf32, #tpu.memory_space<vmem>> -> memref<1x640xf32, #tpu.memory_space<vmem>>
      %dma_wait3A_29 = arith.constant 5 : i32
      %dma_wait3A_30 = tpu.memref_slice %arg8[%dma_wait3A_29, %mul3A_0] : memref<16x10240xf32, #tpu.memory_space<vmem_shared>> -> memref<1x640xf32, #tpu.memory_space<vmem_shared>>
      %dma_wait3A_31 = arith.constant 5 : i32
      %dma_wait3A_32 = arith.constant 0 : i32
      %dma_wait3A_33 = tpu.memref_slice %arg6[%dma_wait3A_31, %dma_wait3A_32] : memref<16x640xf32, #tpu.memory_space<vmem>> -> memref<1x640xf32, #tpu.memory_space<vmem>>
      %dma_wait3A_34 = arith.constant 5 : i32
      %dma_wait3A_35 = tpu.memref_slice %arg8[%dma_wait3A_34, %mul3A_0] : memref<16x10240xf32, #tpu.memory_space<vmem_shared>> -> memref<1x640xf32, #tpu.memory_space<vmem_shared>>
      tpu.wait_dma2 semaphore(%run_scoped3A : memref<!tpu.dma_semaphore, #tpu.memory_space<semaphore_mem>>) src(%dma_wait3A_35 : memref<1x640xf32, #tpu.memory_space<vmem_shared>>) dst(%dma_wait3A_33 : memref<1x640xf32, #tpu.memory_space<vmem>>)
      tpu.yield
    }) : () -> ()
    "tpu.region"() ({
      %run_scoped3A = tpu.sem_alloc : memref<!tpu.dma_semaphore, #tpu.memory_space<semaphore_mem>>
      %dma_start3A = arith.constant 6 : i32
      %dma_start3A_18 = arith.constant 0 : i32
      %dma_start3A_19 = tpu.memref_slice %arg6[%dma_start3A, %dma_start3A_18] : memref<16x640xf32, #tpu.memory_space<vmem>> -> memref<1x640xf32, #tpu.memory_space<vmem>>
      %dma_start3A_20 = arith.constant 6 : i32
      %dma_start3A_21 = tpu.memref_slice %arg8[%dma_start3A_20, %mul3A_0] : memref<16x10240xf32, #tpu.memory_space<vmem_shared>> -> memref<1x640xf32, #tpu.memory_space<vmem_shared>>
      %dma_start3A_22 = arith.constant 6 : i32
      %dma_start3A_23 = arith.constant 0 : i32
      %dma_start3A_24 = tpu.memref_slice %arg6[%dma_start3A_22, %dma_start3A_23] : memref<16x640xf32, #tpu.memory_space<vmem>> -> memref<1x640xf32, #tpu.memory_space<vmem>>
      %dma_start3A_25 = arith.constant 6 : i32
      %dma_start3A_26 = tpu.memref_slice %arg8[%dma_start3A_25, %mul3A_0] : memref<16x10240xf32, #tpu.memory_space<vmem_shared>> -> memref<1x640xf32, #tpu.memory_space<vmem_shared>>
      tpu.enqueue_dma source(%dma_start3A_26 : memref<1x640xf32, #tpu.memory_space<vmem_shared>>) target(%dma_start3A_24 : memref<1x640xf32, #tpu.memory_space<vmem>>) target_semaphore(%run_scoped3A : memref<!tpu.dma_semaphore, #tpu.memory_space<semaphore_mem>>)
      %dma_wait3A = arith.constant 6 : i32
      %dma_wait3A_27 = arith.constant 0 : i32
      %dma_wait3A_28 = tpu.memref_slice %arg6[%dma_wait3A, %dma_wait3A_27] : memref<16x640xf32, #tpu.memory_space<vmem>> -> memref<1x640xf32, #tpu.memory_space<vmem>>
      %dma_wait3A_29 = arith.constant 6 : i32
      %dma_wait3A_30 = tpu.memref_slice %arg8[%dma_wait3A_29, %mul3A_0] : memref<16x10240xf32, #tpu.memory_space<vmem_shared>> -> memref<1x640xf32, #tpu.memory_space<vmem_shared>>
      %dma_wait3A_31 = arith.constant 6 : i32
      %dma_wait3A_32 = arith.constant 0 : i32
      %dma_wait3A_33 = tpu.memref_slice %arg6[%dma_wait3A_31, %dma_wait3A_32] : memref<16x640xf32, #tpu.memory_space<vmem>> -> memref<1x640xf32, #tpu.memory_space<vmem>>
      %dma_wait3A_34 = arith.constant 6 : i32
      %dma_wait3A_35 = tpu.memref_slice %arg8[%dma_wait3A_34, %mul3A_0] : memref<16x10240xf32, #tpu.memory_space<vmem_shared>> -> memref<1x640xf32, #tpu.memory_space<vmem_shared>>
      tpu.wait_dma2 semaphore(%run_scoped3A : memref<!tpu.dma_semaphore, #tpu.memory_space<semaphore_mem>>) src(%dma_wait3A_35 : memref<1x640xf32, #tpu.memory_space<vmem_shared>>) dst(%dma_wait3A_33 : memref<1x640xf32, #tpu.memory_space<vmem>>)
      tpu.yield
    }) : () -> ()
    "tpu.region"() ({
      %run_scoped3A = tpu.sem_alloc : memref<!tpu.dma_semaphore, #tpu.memory_space<semaphore_mem>>
      %dma_start3A = arith.constant 7 : i32
      %dma_start3A_18 = arith.constant 0 : i32
      %dma_start3A_19 = tpu.memref_slice %arg6[%dma_start3A, %dma_start3A_18] : memref<16x640xf32, #tpu.memory_space<vmem>> -> memref<1x640xf32, #tpu.memory_space<vmem>>
      %dma_start3A_20 = arith.constant 7 : i32
      %dma_start3A_21 = tpu.memref_slice %arg8[%dma_start3A_20, %mul3A_0] : memref<16x10240xf32, #tpu.memory_space<vmem_shared>> -> memref<1x640xf32, #tpu.memory_space<vmem_shared>>
      %dma_start3A_22 = arith.constant 7 : i32
      %dma_start3A_23 = arith.constant 0 : i32
      %dma_start3A_24 = tpu.memref_slice %arg6[%dma_start3A_22, %dma_start3A_23] : memref<16x640xf32, #tpu.memory_space<vmem>> -> memref<1x640xf32, #tpu.memory_space<vmem>>
      %dma_start3A_25 = arith.constant 7 : i32
      %dma_start3A_26 = tpu.memref_slice %arg8[%dma_start3A_25, %mul3A_0] : memref<16x10240xf32, #tpu.memory_space<vmem_shared>> -> memref<1x640xf32, #tpu.memory_space<vmem_shared>>
      tpu.enqueue_dma source(%dma_start3A_26 : memref<1x640xf32, #tpu.memory_space<vmem_shared>>) target(%dma_start3A_24 : memref<1x640xf32, #tpu.memory_space<vmem>>) target_semaphore(%run_scoped3A : memref<!tpu.dma_semaphore, #tpu.memory_space<semaphore_mem>>)
      %dma_wait3A = arith.constant 7 : i32
      %dma_wait3A_27 = arith.constant 0 : i32
      %dma_wait3A_28 = tpu.memref_slice %arg6[%dma_wait3A, %dma_wait3A_27] : memref<16x640xf32, #tpu.memory_space<vmem>> -> memref<1x640xf32, #tpu.memory_space<vmem>>
      %dma_wait3A_29 = arith.constant 7 : i32
      %dma_wait3A_30 = tpu.memref_slice %arg8[%dma_wait3A_29, %mul3A_0] : memref<16x10240xf32, #tpu.memory_space<vmem_shared>> -> memref<1x640xf32, #tpu.memory_space<vmem_shared>>
      %dma_wait3A_31 = arith.constant 7 : i32
      %dma_wait3A_32 = arith.constant 0 : i32
      %dma_wait3A_33 = tpu.memref_slice %arg6[%dma_wait3A_31, %dma_wait3A_32] : memref<16x640xf32, #tpu.memory_space<vmem>> -> memref<1x640xf32, #tpu.memory_space<vmem>>
      %dma_wait3A_34 = arith.constant 7 : i32
      %dma_wait3A_35 = tpu.memref_slice %arg8[%dma_wait3A_34, %mul3A_0] : memref<16x10240xf32, #tpu.memory_space<vmem_shared>> -> memref<1x640xf32, #tpu.memory_space<vmem_shared>>
      tpu.wait_dma2 semaphore(%run_scoped3A : memref<!tpu.dma_semaphore, #tpu.memory_space<semaphore_mem>>) src(%dma_wait3A_35 : memref<1x640xf32, #tpu.memory_space<vmem_shared>>) dst(%dma_wait3A_33 : memref<1x640xf32, #tpu.memory_space<vmem>>)
      tpu.yield
    }) : () -> ()
    "tpu.region"() ({
      %run_scoped3A = tpu.sem_alloc : memref<!tpu.dma_semaphore, #tpu.memory_space<semaphore_mem>>
      %dma_start3A = arith.constant 8 : i32
      %dma_start3A_18 = arith.constant 0 : i32
      %dma_start3A_19 = tpu.memref_slice %arg6[%dma_start3A, %dma_start3A_18] : memref<16x640xf32, #tpu.memory_space<vmem>> -> memref<1x640xf32, #tpu.memory_space<vmem>>
      %dma_start3A_20 = arith.constant 8 : i32
      %dma_start3A_21 = tpu.memref_slice %arg8[%dma_start3A_20, %mul3A_0] : memref<16x10240xf32, #tpu.memory_space<vmem_shared>> -> memref<1x640xf32, #tpu.memory_space<vmem_shared>>
      %dma_start3A_22 = arith.constant 8 : i32
      %dma_start3A_23 = arith.constant 0 : i32
      %dma_start3A_24 = tpu.memref_slice %arg6[%dma_start3A_22, %dma_start3A_23] : memref<16x640xf32, #tpu.memory_space<vmem>> -> memref<1x640xf32, #tpu.memory_space<vmem>>
      %dma_start3A_25 = arith.constant 8 : i32
      %dma_start3A_26 = tpu.memref_slice %arg8[%dma_start3A_25, %mul3A_0] : memref<16x10240xf32, #tpu.memory_space<vmem_shared>> -> memref<1x640xf32, #tpu.memory_space<vmem_shared>>
      tpu.enqueue_dma source(%dma_start3A_26 : memref<1x640xf32, #tpu.memory_space<vmem_shared>>) target(%dma_start3A_24 : memref<1x640xf32, #tpu.memory_space<vmem>>) target_semaphore(%run_scoped3A : memref<!tpu.dma_semaphore, #tpu.memory_space<semaphore_mem>>)
      %dma_wait3A = arith.constant 8 : i32
      %dma_wait3A_27 = arith.constant 0 : i32
      %dma_wait3A_28 = tpu.memref_slice %arg6[%dma_wait3A, %dma_wait3A_27] : memref<16x640xf32, #tpu.memory_space<vmem>> -> memref<1x640xf32, #tpu.memory_space<vmem>>
      %dma_wait3A_29 = arith.constant 8 : i32
      %dma_wait3A_30 = tpu.memref_slice %arg8[%dma_wait3A_29, %mul3A_0] : memref<16x10240xf32, #tpu.memory_space<vmem_shared>> -> memref<1x640xf32, #tpu.memory_space<vmem_shared>>
      %dma_wait3A_31 = arith.constant 8 : i32
      %dma_wait3A_32 = arith.constant 0 : i32
      %dma_wait3A_33 = tpu.memref_slice %arg6[%dma_wait3A_31, %dma_wait3A_32] : memref<16x640xf32, #tpu.memory_space<vmem>> -> memref<1x640xf32, #tpu.memory_space<vmem>>
      %dma_wait3A_34 = arith.constant 8 : i32
      %dma_wait3A_35 = tpu.memref_slice %arg8[%dma_wait3A_34, %mul3A_0] : memref<16x10240xf32, #tpu.memory_space<vmem_shared>> -> memref<1x640xf32, #tpu.memory_space<vmem_shared>>
      tpu.wait_dma2 semaphore(%run_scoped3A : memref<!tpu.dma_semaphore, #tpu.memory_space<semaphore_mem>>) src(%dma_wait3A_35 : memref<1x640xf32, #tpu.memory_space<vmem_shared>>) dst(%dma_wait3A_33 : memref<1x640xf32, #tpu.memory_space<vmem>>)
      tpu.yield
    }) : () -> ()
    "tpu.region"() ({
      %run_scoped3A = tpu.sem_alloc : memref<!tpu.dma_semaphore, #tpu.memory_space<semaphore_mem>>
      %dma_start3A = arith.constant 9 : i32
      %dma_start3A_18 = arith.constant 0 : i32
      %dma_start3A_19 = tpu.memref_slice %arg6[%dma_start3A, %dma_start3A_18] : memref<16x640xf32, #tpu.memory_space<vmem>> -> memref<1x640xf32, #tpu.memory_space<vmem>>
      %dma_start3A_20 = arith.constant 9 : i32
      %dma_start3A_21 = tpu.memref_slice %arg8[%dma_start3A_20, %mul3A_0] : memref<16x10240xf32, #tpu.memory_space<vmem_shared>> -> memref<1x640xf32, #tpu.memory_space<vmem_shared>>
      %dma_start3A_22 = arith.constant 9 : i32
      %dma_start3A_23 = arith.constant 0 : i32
      %dma_start3A_24 = tpu.memref_slice %arg6[%dma_start3A_22, %dma_start3A_23] : memref<16x640xf32, #tpu.memory_space<vmem>> -> memref<1x640xf32, #tpu.memory_space<vmem>>
      %dma_start3A_25 = arith.constant 9 : i32
      %dma_start3A_26 = tpu.memref_slice %arg8[%dma_start3A_25, %mul3A_0] : memref<16x10240xf32, #tpu.memory_space<vmem_shared>> -> memref<1x640xf32, #tpu.memory_space<vmem_shared>>
      tpu.enqueue_dma source(%dma_start3A_26 : memref<1x640xf32, #tpu.memory_space<vmem_shared>>) target(%dma_start3A_24 : memref<1x640xf32, #tpu.memory_space<vmem>>) target_semaphore(%run_scoped3A : memref<!tpu.dma_semaphore, #tpu.memory_space<semaphore_mem>>)
      %dma_wait3A = arith.constant 9 : i32
      %dma_wait3A_27 = arith.constant 0 : i32
      %dma_wait3A_28 = tpu.memref_slice %arg6[%dma_wait3A, %dma_wait3A_27] : memref<16x640xf32, #tpu.memory_space<vmem>> -> memref<1x640xf32, #tpu.memory_space<vmem>>
      %dma_wait3A_29 = arith.constant 9 : i32
      %dma_wait3A_30 = tpu.memref_slice %arg8[%dma_wait3A_29, %mul3A_0] : memref<16x10240xf32, #tpu.memory_space<vmem_shared>> -> memref<1x640xf32, #tpu.memory_space<vmem_shared>>
      %dma_wait3A_31 = arith.constant 9 : i32
      %dma_wait3A_32 = arith.constant 0 : i32
      %dma_wait3A_33 = tpu.memref_slice %arg6[%dma_wait3A_31, %dma_wait3A_32] : memref<16x640xf32, #tpu.memory_space<vmem>> -> memref<1x640xf32, #tpu.memory_space<vmem>>
      %dma_wait3A_34 = arith.constant 9 : i32
      %dma_wait3A_35 = tpu.memref_slice %arg8[%dma_wait3A_34, %mul3A_0] : memref<16x10240xf32, #tpu.memory_space<vmem_shared>> -> memref<1x640xf32, #tpu.memory_space<vmem_shared>>
      tpu.wait_dma2 semaphore(%run_scoped3A : memref<!tpu.dma_semaphore, #tpu.memory_space<semaphore_mem>>) src(%dma_wait3A_35 : memref<1x640xf32, #tpu.memory_space<vmem_shared>>) dst(%dma_wait3A_33 : memref<1x640xf32, #tpu.memory_space<vmem>>)
      tpu.yield
    }) : () -> ()
    "tpu.region"() ({
      %run_scoped3A = tpu.sem_alloc : memref<!tpu.dma_semaphore, #tpu.memory_space<semaphore_mem>>
      %dma_start3A = arith.constant 10 : i32
      %dma_start3A_18 = arith.constant 0 : i32
      %dma_start3A_19 = tpu.memref_slice %arg6[%dma_start3A, %dma_start3A_18] : memref<16x640xf32, #tpu.memory_space<vmem>> -> memref<1x640xf32, #tpu.memory_space<vmem>>
      %dma_start3A_20 = arith.constant 10 : i32
      %dma_start3A_21 = tpu.memref_slice %arg8[%dma_start3A_20, %mul3A_0] : memref<16x10240xf32, #tpu.memory_space<vmem_shared>> -> memref<1x640xf32, #tpu.memory_space<vmem_shared>>
      %dma_start3A_22 = arith.constant 10 : i32
      %dma_start3A_23 = arith.constant 0 : i32
      %dma_start3A_24 = tpu.memref_slice %arg6[%dma_start3A_22, %dma_start3A_23] : memref<16x640xf32, #tpu.memory_space<vmem>> -> memref<1x640xf32, #tpu.memory_space<vmem>>
      %dma_start3A_25 = arith.constant 10 : i32
      %dma_start3A_26 = tpu.memref_slice %arg8[%dma_start3A_25, %mul3A_0] : memref<16x10240xf32, #tpu.memory_space<vmem_shared>> -> memref<1x640xf32, #tpu.memory_space<vmem_shared>>
      tpu.enqueue_dma source(%dma_start3A_26 : memref<1x640xf32, #tpu.memory_space<vmem_shared>>) target(%dma_start3A_24 : memref<1x640xf32, #tpu.memory_space<vmem>>) target_semaphore(%run_scoped3A : memref<!tpu.dma_semaphore, #tpu.memory_space<semaphore_mem>>)
      %dma_wait3A = arith.constant 10 : i32
      %dma_wait3A_27 = arith.constant 0 : i32
      %dma_wait3A_28 = tpu.memref_slice %arg6[%dma_wait3A, %dma_wait3A_27] : memref<16x640xf32, #tpu.memory_space<vmem>> -> memref<1x640xf32, #tpu.memory_space<vmem>>
      %dma_wait3A_29 = arith.constant 10 : i32
      %dma_wait3A_30 = tpu.memref_slice %arg8[%dma_wait3A_29, %mul3A_0] : memref<16x10240xf32, #tpu.memory_space<vmem_shared>> -> memref<1x640xf32, #tpu.memory_space<vmem_shared>>
      %dma_wait3A_31 = arith.constant 10 : i32
      %dma_wait3A_32 = arith.constant 0 : i32
      %dma_wait3A_33 = tpu.memref_slice %arg6[%dma_wait3A_31, %dma_wait3A_32] : memref<16x640xf32, #tpu.memory_space<vmem>> -> memref<1x640xf32, #tpu.memory_space<vmem>>
      %dma_wait3A_34 = arith.constant 10 : i32
      %dma_wait3A_35 = tpu.memref_slice %arg8[%dma_wait3A_34, %mul3A_0] : memref<16x10240xf32, #tpu.memory_space<vmem_shared>> -> memref<1x640xf32, #tpu.memory_space<vmem_shared>>
      tpu.wait_dma2 semaphore(%run_scoped3A : memref<!tpu.dma_semaphore, #tpu.memory_space<semaphore_mem>>) src(%dma_wait3A_35 : memref<1x640xf32, #tpu.memory_space<vmem_shared>>) dst(%dma_wait3A_33 : memref<1x640xf32, #tpu.memory_space<vmem>>)
      tpu.yield
    }) : () -> ()
    "tpu.region"() ({
      %run_scoped3A = tpu.sem_alloc : memref<!tpu.dma_semaphore, #tpu.memory_space<semaphore_mem>>
      %dma_start3A = arith.constant 11 : i32
      %dma_start3A_18 = arith.constant 0 : i32
      %dma_start3A_19 = tpu.memref_slice %arg6[%dma_start3A, %dma_start3A_18] : memref<16x640xf32, #tpu.memory_space<vmem>> -> memref<1x640xf32, #tpu.memory_space<vmem>>
      %dma_start3A_20 = arith.constant 11 : i32
      %dma_start3A_21 = tpu.memref_slice %arg8[%dma_start3A_20, %mul3A_0] : memref<16x10240xf32, #tpu.memory_space<vmem_shared>> -> memref<1x640xf32, #tpu.memory_space<vmem_shared>>
      %dma_start3A_22 = arith.constant 11 : i32
      %dma_start3A_23 = arith.constant 0 : i32
      %dma_start3A_24 = tpu.memref_slice %arg6[%dma_start3A_22, %dma_start3A_23] : memref<16x640xf32, #tpu.memory_space<vmem>> -> memref<1x640xf32, #tpu.memory_space<vmem>>
      %dma_start3A_25 = arith.constant 11 : i32
      %dma_start3A_26 = tpu.memref_slice %arg8[%dma_start3A_25, %mul3A_0] : memref<16x10240xf32, #tpu.memory_space<vmem_shared>> -> memref<1x640xf32, #tpu.memory_space<vmem_shared>>
      tpu.enqueue_dma source(%dma_start3A_26 : memref<1x640xf32, #tpu.memory_space<vmem_shared>>) target(%dma_start3A_24 : memref<1x640xf32, #tpu.memory_space<vmem>>) target_semaphore(%run_scoped3A : memref<!tpu.dma_semaphore, #tpu.memory_space<semaphore_mem>>)
      %dma_wait3A = arith.constant 11 : i32
      %dma_wait3A_27 = arith.constant 0 : i32
      %dma_wait3A_28 = tpu.memref_slice %arg6[%dma_wait3A, %dma_wait3A_27] : memref<16x640xf32, #tpu.memory_space<vmem>> -> memref<1x640xf32, #tpu.memory_space<vmem>>
      %dma_wait3A_29 = arith.constant 11 : i32
      %dma_wait3A_30 = tpu.memref_slice %arg8[%dma_wait3A_29, %mul3A_0] : memref<16x10240xf32, #tpu.memory_space<vmem_shared>> -> memref<1x640xf32, #tpu.memory_space<vmem_shared>>
      %dma_wait3A_31 = arith.constant 11 : i32
      %dma_wait3A_32 = arith.constant 0 : i32
      %dma_wait3A_33 = tpu.memref_slice %arg6[%dma_wait3A_31, %dma_wait3A_32] : memref<16x640xf32, #tpu.memory_space<vmem>> -> memref<1x640xf32, #tpu.memory_space<vmem>>
      %dma_wait3A_34 = arith.constant 11 : i32
      %dma_wait3A_35 = tpu.memref_slice %arg8[%dma_wait3A_34, %mul3A_0] : memref<16x10240xf32, #tpu.memory_space<vmem_shared>> -> memref<1x640xf32, #tpu.memory_space<vmem_shared>>
      tpu.wait_dma2 semaphore(%run_scoped3A : memref<!tpu.dma_semaphore, #tpu.memory_space<semaphore_mem>>) src(%dma_wait3A_35 : memref<1x640xf32, #tpu.memory_space<vmem_shared>>) dst(%dma_wait3A_33 : memref<1x640xf32, #tpu.memory_space<vmem>>)
      tpu.yield
    }) : () -> ()
    "tpu.region"() ({
      %run_scoped3A = tpu.sem_alloc : memref<!tpu.dma_semaphore, #tpu.memory_space<semaphore_mem>>
      %dma_start3A = arith.constant 12 : i32
      %dma_start3A_18 = arith.constant 0 : i32
      %dma_start3A_19 = tpu.memref_slice %arg6[%dma_start3A, %dma_start3A_18] : memref<16x640xf32, #tpu.memory_space<vmem>> -> memref<1x640xf32, #tpu.memory_space<vmem>>
      %dma_start3A_20 = arith.constant 12 : i32
      %dma_start3A_21 = tpu.memref_slice %arg8[%dma_start3A_20, %mul3A_0] : memref<16x10240xf32, #tpu.memory_space<vmem_shared>> -> memref<1x640xf32, #tpu.memory_space<vmem_shared>>
      %dma_start3A_22 = arith.constant 12 : i32
      %dma_start3A_23 = arith.constant 0 : i32
      %dma_start3A_24 = tpu.memref_slice %arg6[%dma_start3A_22, %dma_start3A_23] : memref<16x640xf32, #tpu.memory_space<vmem>> -> memref<1x640xf32, #tpu.memory_space<vmem>>
      %dma_start3A_25 = arith.constant 12 : i32
      %dma_start3A_26 = tpu.memref_slice %arg8[%dma_start3A_25, %mul3A_0] : memref<16x10240xf32, #tpu.memory_space<vmem_shared>> -> memref<1x640xf32, #tpu.memory_space<vmem_shared>>
      tpu.enqueue_dma source(%dma_start3A_26 : memref<1x640xf32, #tpu.memory_space<vmem_shared>>) target(%dma_start3A_24 : memref<1x640xf32, #tpu.memory_space<vmem>>) target_semaphore(%run_scoped3A : memref<!tpu.dma_semaphore, #tpu.memory_space<semaphore_mem>>)
      %dma_wait3A = arith.constant 12 : i32
      %dma_wait3A_27 = arith.constant 0 : i32
      %dma_wait3A_28 = tpu.memref_slice %arg6[%dma_wait3A, %dma_wait3A_27] : memref<16x640xf32, #tpu.memory_space<vmem>> -> memref<1x640xf32, #tpu.memory_space<vmem>>
      %dma_wait3A_29 = arith.constant 12 : i32
      %dma_wait3A_30 = tpu.memref_slice %arg8[%dma_wait3A_29, %mul3A_0] : memref<16x10240xf32, #tpu.memory_space<vmem_shared>> -> memref<1x640xf32, #tpu.memory_space<vmem_shared>>
      %dma_wait3A_31 = arith.constant 12 : i32
      %dma_wait3A_32 = arith.constant 0 : i32
      %dma_wait3A_33 = tpu.memref_slice %arg6[%dma_wait3A_31, %dma_wait3A_32] : memref<16x640xf32, #tpu.memory_space<vmem>> -> memref<1x640xf32, #tpu.memory_space<vmem>>
      %dma_wait3A_34 = arith.constant 12 : i32
      %dma_wait3A_35 = tpu.memref_slice %arg8[%dma_wait3A_34, %mul3A_0] : memref<16x10240xf32, #tpu.memory_space<vmem_shared>> -> memref<1x640xf32, #tpu.memory_space<vmem_shared>>
      tpu.wait_dma2 semaphore(%run_scoped3A : memref<!tpu.dma_semaphore, #tpu.memory_space<semaphore_mem>>) src(%dma_wait3A_35 : memref<1x640xf32, #tpu.memory_space<vmem_shared>>) dst(%dma_wait3A_33 : memref<1x640xf32, #tpu.memory_space<vmem>>)
      tpu.yield
    }) : () -> ()
    "tpu.region"() ({
      %run_scoped3A = tpu.sem_alloc : memref<!tpu.dma_semaphore, #tpu.memory_space<semaphore_mem>>
      %dma_start3A = arith.constant 13 : i32
      %dma_start3A_18 = arith.constant 0 : i32
      %dma_start3A_19 = tpu.memref_slice %arg6[%dma_start3A, %dma_start3A_18] : memref<16x640xf32, #tpu.memory_space<vmem>> -> memref<1x640xf32, #tpu.memory_space<vmem>>
      %dma_start3A_20 = arith.constant 13 : i32
      %dma_start3A_21 = tpu.memref_slice %arg8[%dma_start3A_20, %mul3A_0] : memref<16x10240xf32, #tpu.memory_space<vmem_shared>> -> memref<1x640xf32, #tpu.memory_space<vmem_shared>>
      %dma_start3A_22 = arith.constant 13 : i32
      %dma_start3A_23 = arith.constant 0 : i32
      %dma_start3A_24 = tpu.memref_slice %arg6[%dma_start3A_22, %dma_start3A_23] : memref<16x640xf32, #tpu.memory_space<vmem>> -> memref<1x640xf32, #tpu.memory_space<vmem>>
      %dma_start3A_25 = arith.constant 13 : i32
      %dma_start3A_26 = tpu.memref_slice %arg8[%dma_start3A_25, %mul3A_0] : memref<16x10240xf32, #tpu.memory_space<vmem_shared>> -> memref<1x640xf32, #tpu.memory_space<vmem_shared>>
      tpu.enqueue_dma source(%dma_start3A_26 : memref<1x640xf32, #tpu.memory_space<vmem_shared>>) target(%dma_start3A_24 : memref<1x640xf32, #tpu.memory_space<vmem>>) target_semaphore(%run_scoped3A : memref<!tpu.dma_semaphore, #tpu.memory_space<semaphore_mem>>)
      %dma_wait3A = arith.constant 13 : i32
      %dma_wait3A_27 = arith.constant 0 : i32
      %dma_wait3A_28 = tpu.memref_slice %arg6[%dma_wait3A, %dma_wait3A_27] : memref<16x640xf32, #tpu.memory_space<vmem>> -> memref<1x640xf32, #tpu.memory_space<vmem>>
      %dma_wait3A_29 = arith.constant 13 : i32
      %dma_wait3A_30 = tpu.memref_slice %arg8[%dma_wait3A_29, %mul3A_0] : memref<16x10240xf32, #tpu.memory_space<vmem_shared>> -> memref<1x640xf32, #tpu.memory_space<vmem_shared>>
      %dma_wait3A_31 = arith.constant 13 : i32
      %dma_wait3A_32 = arith.constant 0 : i32
      %dma_wait3A_33 = tpu.memref_slice %arg6[%dma_wait3A_31, %dma_wait3A_32] : memref<16x640xf32, #tpu.memory_space<vmem>> -> memref<1x640xf32, #tpu.memory_space<vmem>>
      %dma_wait3A_34 = arith.constant 13 : i32
      %dma_wait3A_35 = tpu.memref_slice %arg8[%dma_wait3A_34, %mul3A_0] : memref<16x10240xf32, #tpu.memory_space<vmem_shared>> -> memref<1x640xf32, #tpu.memory_space<vmem_shared>>
      tpu.wait_dma2 semaphore(%run_scoped3A : memref<!tpu.dma_semaphore, #tpu.memory_space<semaphore_mem>>) src(%dma_wait3A_35 : memref<1x640xf32, #tpu.memory_space<vmem_shared>>) dst(%dma_wait3A_33 : memref<1x640xf32, #tpu.memory_space<vmem>>)
      tpu.yield
    }) : () -> ()
    "tpu.region"() ({
      %run_scoped3A = tpu.sem_alloc : memref<!tpu.dma_semaphore, #tpu.memory_space<semaphore_mem>>
      %dma_start3A = arith.constant 14 : i32
      %dma_start3A_18 = arith.constant 0 : i32
      %dma_start3A_19 = tpu.memref_slice %arg6[%dma_start3A, %dma_start3A_18] : memref<16x640xf32, #tpu.memory_space<vmem>> -> memref<1x640xf32, #tpu.memory_space<vmem>>
      %dma_start3A_20 = arith.constant 14 : i32
      %dma_start3A_21 = tpu.memref_slice %arg8[%dma_start3A_20, %mul3A_0] : memref<16x10240xf32, #tpu.memory_space<vmem_shared>> -> memref<1x640xf32, #tpu.memory_space<vmem_shared>>
      %dma_start3A_22 = arith.constant 14 : i32
      %dma_start3A_23 = arith.constant 0 : i32
      %dma_start3A_24 = tpu.memref_slice %arg6[%dma_start3A_22, %dma_start3A_23] : memref<16x640xf32, #tpu.memory_space<vmem>> -> memref<1x640xf32, #tpu.memory_space<vmem>>
      %dma_start3A_25 = arith.constant 14 : i32
      %dma_start3A_26 = tpu.memref_slice %arg8[%dma_start3A_25, %mul3A_0] : memref<16x10240xf32, #tpu.memory_space<vmem_shared>> -> memref<1x640xf32, #tpu.memory_space<vmem_shared>>
      tpu.enqueue_dma source(%dma_start3A_26 : memref<1x640xf32, #tpu.memory_space<vmem_shared>>) target(%dma_start3A_24 : memref<1x640xf32, #tpu.memory_space<vmem>>) target_semaphore(%run_scoped3A : memref<!tpu.dma_semaphore, #tpu.memory_space<semaphore_mem>>)
      %dma_wait3A = arith.constant 14 : i32
      %dma_wait3A_27 = arith.constant 0 : i32
      %dma_wait3A_28 = tpu.memref_slice %arg6[%dma_wait3A, %dma_wait3A_27] : memref<16x640xf32, #tpu.memory_space<vmem>> -> memref<1x640xf32, #tpu.memory_space<vmem>>
      %dma_wait3A_29 = arith.constant 14 : i32
      %dma_wait3A_30 = tpu.memref_slice %arg8[%dma_wait3A_29, %mul3A_0] : memref<16x10240xf32, #tpu.memory_space<vmem_shared>> -> memref<1x640xf32, #tpu.memory_space<vmem_shared>>
      %dma_wait3A_31 = arith.constant 14 : i32
      %dma_wait3A_32 = arith.constant 0 : i32
      %dma_wait3A_33 = tpu.memref_slice %arg6[%dma_wait3A_31, %dma_wait3A_32] : memref<16x640xf32, #tpu.memory_space<vmem>> -> memref<1x640xf32, #tpu.memory_space<vmem>>
      %dma_wait3A_34 = arith.constant 14 : i32
      %dma_wait3A_35 = tpu.memref_slice %arg8[%dma_wait3A_34, %mul3A_0] : memref<16x10240xf32, #tpu.memory_space<vmem_shared>> -> memref<1x640xf32, #tpu.memory_space<vmem_shared>>
      tpu.wait_dma2 semaphore(%run_scoped3A : memref<!tpu.dma_semaphore, #tpu.memory_space<semaphore_mem>>) src(%dma_wait3A_35 : memref<1x640xf32, #tpu.memory_space<vmem_shared>>) dst(%dma_wait3A_33 : memref<1x640xf32, #tpu.memory_space<vmem>>)
      tpu.yield
    }) : () -> ()
    "tpu.region"() ({
      %run_scoped3A = tpu.sem_alloc : memref<!tpu.dma_semaphore, #tpu.memory_space<semaphore_mem>>
      %dma_start3A = arith.constant 15 : i32
      %dma_start3A_18 = arith.constant 0 : i32
      %dma_start3A_19 = tpu.memref_slice %arg6[%dma_start3A, %dma_start3A_18] : memref<16x640xf32, #tpu.memory_space<vmem>> -> memref<1x640xf32, #tpu.memory_space<vmem>>
      %dma_start3A_20 = arith.constant 15 : i32
      %dma_start3A_21 = tpu.memref_slice %arg8[%dma_start3A_20, %mul3A_0] : memref<16x10240xf32, #tpu.memory_space<vmem_shared>> -> memref<1x640xf32, #tpu.memory_space<vmem_shared>>
      %dma_start3A_22 = arith.constant 15 : i32
      %dma_start3A_23 = arith.constant 0 : i32
      %dma_start3A_24 = tpu.memref_slice %arg6[%dma_start3A_22, %dma_start3A_23] : memref<16x640xf32, #tpu.memory_space<vmem>> -> memref<1x640xf32, #tpu.memory_space<vmem>>
      %dma_start3A_25 = arith.constant 15 : i32
      %dma_start3A_26 = tpu.memref_slice %arg8[%dma_start3A_25, %mul3A_0] : memref<16x10240xf32, #tpu.memory_space<vmem_shared>> -> memref<1x640xf32, #tpu.memory_space<vmem_shared>>
      tpu.enqueue_dma source(%dma_start3A_26 : memref<1x640xf32, #tpu.memory_space<vmem_shared>>) target(%dma_start3A_24 : memref<1x640xf32, #tpu.memory_space<vmem>>) target_semaphore(%run_scoped3A : memref<!tpu.dma_semaphore, #tpu.memory_space<semaphore_mem>>)
      %dma_wait3A = arith.constant 15 : i32
      %dma_wait3A_27 = arith.constant 0 : i32
      %dma_wait3A_28 = tpu.memref_slice %arg6[%dma_wait3A, %dma_wait3A_27] : memref<16x640xf32, #tpu.memory_space<vmem>> -> memref<1x640xf32, #tpu.memory_space<vmem>>
      %dma_wait3A_29 = arith.constant 15 : i32
      %dma_wait3A_30 = tpu.memref_slice %arg8[%dma_wait3A_29, %mul3A_0] : memref<16x10240xf32, #tpu.memory_space<vmem_shared>> -> memref<1x640xf32, #tpu.memory_space<vmem_shared>>
      %dma_wait3A_31 = arith.constant 15 : i32
      %dma_wait3A_32 = arith.constant 0 : i32
      %dma_wait3A_33 = tpu.memref_slice %arg6[%dma_wait3A_31, %dma_wait3A_32] : memref<16x640xf32, #tpu.memory_space<vmem>> -> memref<1x640xf32, #tpu.memory_space<vmem>>
      %dma_wait3A_34 = arith.constant 15 : i32
      %dma_wait3A_35 = tpu.memref_slice %arg8[%dma_wait3A_34, %mul3A_0] : memref<16x10240xf32, #tpu.memory_space<vmem_shared>> -> memref<1x640xf32, #tpu.memory_space<vmem_shared>>
      tpu.wait_dma2 semaphore(%run_scoped3A : memref<!tpu.dma_semaphore, #tpu.memory_space<semaphore_mem>>) src(%dma_wait3A_35 : memref<1x640xf32, #tpu.memory_space<vmem_shared>>) dst(%dma_wait3A_33 : memref<1x640xf32, #tpu.memory_space<vmem>>)
      tpu.yield
    }) : () -> ()
    %scan3A_13 = arith.constant 0 : i32
    %scan3A_14 = arith.constant 40 : i32
    %scan3A_15 = arith.addi %scan3A_13, %scan3A_14 : i32
    %scan3A_16 = arith.constant 1 : i32
    scf.for %scan3A_18 = %scan3A_13 to %scan3A_15 step %scan3A_16  : i32 {
      %mul3A_19 = arith.constant 1 : i32
      %mul3A_20 = arith.muli %scan3A_18, %mul3A_19 : i32
      %add3A = arith.constant 0 : i32
      %add3A_21 = arith.addi %add3A, %mul3A_20 : i32
      %mul3A_22 = arith.constant 16 : i32
      %mul3A_23 = arith.muli %add3A_21, %mul3A_22 : i32
      %get3A = arith.constant 0 : i32
      %get3A_24 = arith.index_cast %get3A : i32 to index
      %get3A_25 = arith.index_cast %mul3A_23 : i32 to index
      %get3A_26 = tpu.vector_load %arg6[%get3A_24, %get3A_25] {strides = array<i32>} : memref<16x640xf32, #tpu.memory_space<vmem>>, vector<16xf32>,
      %get3A_27 = arith.constant 1 : i32
      %get3A_28 = arith.index_cast %get3A_27 : i32 to index
      %get3A_29 = arith.index_cast %mul3A_23 : i32 to index
      %get3A_30 = tpu.vector_load %arg6[%get3A_28, %get3A_29] {strides = array<i32>} : memref<16x640xf32, #tpu.memory_space<vmem>>, vector<16xf32>,
      %add3A_31 = arith.addf %get3A_26, %get3A_30 : vector<16xf32>
      %get3A_32 = arith.constant 2 : i32
      %get3A_33 = arith.index_cast %get3A_32 : i32 to index
      %get3A_34 = arith.index_cast %mul3A_23 : i32 to index
      %get3A_35 = tpu.vector_load %arg6[%get3A_33, %get3A_34] {strides = array<i32>} : memref<16x640xf32, #tpu.memory_space<vmem>>, vector<16xf32>,
      %add3A_36 = arith.addf %add3A_31, %get3A_35 : vector<16xf32>
      %get3A_37 = arith.constant 3 : i32
      %get3A_38 = arith.index_cast %get3A_37 : i32 to index
      %get3A_39 = arith.index_cast %mul3A_23 : i32 to index
      %get3A_40 = tpu.vector_load %arg6[%get3A_38, %get3A_39] {strides = array<i32>} : memref<16x640xf32, #tpu.memory_space<vmem>>, vector<16xf32>,
      %add3A_41 = arith.addf %add3A_36, %get3A_40 : vector<16xf32>
      %get3A_42 = arith.constant 4 : i32
      %get3A_43 = arith.index_cast %get3A_42 : i32 to index
      %get3A_44 = arith.index_cast %mul3A_23 : i32 to index
      %get3A_45 = tpu.vector_load %arg6[%get3A_43, %get3A_44] {strides = array<i32>} : memref<16x640xf32, #tpu.memory_space<vmem>>, vector<16xf32>,
      %add3A_46 = arith.addf %add3A_41, %get3A_45 : vector<16xf32>
      %get3A_47 = arith.constant 5 : i32
      %get3A_48 = arith.index_cast %get3A_47 : i32 to index
      %get3A_49 = arith.index_cast %mul3A_23 : i32 to index
      %get3A_50 = tpu.vector_load %arg6[%get3A_48, %get3A_49] {strides = array<i32>} : memref<16x640xf32, #tpu.memory_space<vmem>>, vector<16xf32>,
      %add3A_51 = arith.addf %add3A_46, %get3A_50 : vector<16xf32>
      %get3A_52 = arith.constant 6 : i32
      %get3A_53 = arith.index_cast %get3A_52 : i32 to index
      %get3A_54 = arith.index_cast %mul3A_23 : i32 to index
      %get3A_55 = tpu.vector_load %arg6[%get3A_53, %get3A_54] {strides = array<i32>} : memref<16x640xf32, #tpu.memory_space<vmem>>, vector<16xf32>,
      %add3A_56 = arith.addf %add3A_51, %get3A_55 : vector<16xf32>
      %get3A_57 = arith.constant 7 : i32
      %get3A_58 = arith.index_cast %get3A_57 : i32 to index
      %get3A_59 = arith.index_cast %mul3A_23 : i32 to index
      %get3A_60 = tpu.vector_load %arg6[%get3A_58, %get3A_59] {strides = array<i32>} : memref<16x640xf32, #tpu.memory_space<vmem>>, vector<16xf32>,
      %add3A_61 = arith.addf %add3A_56, %get3A_60 : vector<16xf32>
      %get3A_62 = arith.constant 8 : i32
      %get3A_63 = arith.index_cast %get3A_62 : i32 to index
      %get3A_64 = arith.index_cast %mul3A_23 : i32 to index
      %get3A_65 = tpu.vector_load %arg6[%get3A_63, %get3A_64] {strides = array<i32>} : memref<16x640xf32, #tpu.memory_space<vmem>>, vector<16xf32>,
      %add3A_66 = arith.addf %add3A_61, %get3A_65 : vector<16xf32>
      %get3A_67 = arith.constant 9 : i32
      %get3A_68 = arith.index_cast %get3A_67 : i32 to index
      %get3A_69 = arith.index_cast %mul3A_23 : i32 to index
      %get3A_70 = tpu.vector_load %arg6[%get3A_68, %get3A_69] {strides = array<i32>} : memref<16x640xf32, #tpu.memory_space<vmem>>, vector<16xf32>,
      %add3A_71 = arith.addf %add3A_66, %get3A_70 : vector<16xf32>
      %get3A_72 = arith.constant 10 : i32
      %get3A_73 = arith.index_cast %get3A_72 : i32 to index
      %get3A_74 = arith.index_cast %mul3A_23 : i32 to index
      %get3A_75 = tpu.vector_load %arg6[%get3A_73, %get3A_74] {strides = array<i32>} : memref<16x640xf32, #tpu.memory_space<vmem>>, vector<16xf32>,
      %add3A_76 = arith.addf %add3A_71, %get3A_75 : vector<16xf32>
      %get3A_77 = arith.constant 11 : i32
      %get3A_78 = arith.index_cast %get3A_77 : i32 to index
      %get3A_79 = arith.index_cast %mul3A_23 : i32 to index
      %get3A_80 = tpu.vector_load %arg6[%get3A_78, %get3A_79] {strides = array<i32>} : memref<16x640xf32, #tpu.memory_space<vmem>>, vector<16xf32>,
      %add3A_81 = arith.addf %add3A_76, %get3A_80 : vector<16xf32>
      %get3A_82 = arith.constant 12 : i32
      %get3A_83 = arith.index_cast %get3A_82 : i32 to index
      %get3A_84 = arith.index_cast %mul3A_23 : i32 to index
      %get3A_85 = tpu.vector_load %arg6[%get3A_83, %get3A_84] {strides = array<i32>} : memref<16x640xf32, #tpu.memory_space<vmem>>, vector<16xf32>,
      %add3A_86 = arith.addf %add3A_81, %get3A_85 : vector<16xf32>
      %get3A_87 = arith.constant 13 : i32
      %get3A_88 = arith.index_cast %get3A_87 : i32 to index
      %get3A_89 = arith.index_cast %mul3A_23 : i32 to index
      %get3A_90 = tpu.vector_load %arg6[%get3A_88, %get3A_89] {strides = array<i32>} : memref<16x640xf32, #tpu.memory_space<vmem>>, vector<16xf32>,
      %add3A_91 = arith.addf %add3A_86, %get3A_90 : vector<16xf32>
      %get3A_92 = arith.constant 14 : i32
      %get3A_93 = arith.index_cast %get3A_92 : i32 to index
      %get3A_94 = arith.index_cast %mul3A_23 : i32 to index
      %get3A_95 = tpu.vector_load %arg6[%get3A_93, %get3A_94] {strides = array<i32>} : memref<16x640xf32, #tpu.memory_space<vmem>>, vector<16xf32>,
      %add3A_96 = arith.addf %add3A_91, %get3A_95 : vector<16xf32>
      %get3A_97 = arith.constant 15 : i32
      %get3A_98 = arith.index_cast %get3A_97 : i32 to index
      %get3A_99 = arith.index_cast %mul3A_23 : i32 to index
      %get3A_100 = tpu.vector_load %arg6[%get3A_98, %get3A_99] {strides = array<i32>} : memref<16x640xf32, #tpu.memory_space<vmem>>, vector<16xf32>,
      %add3A_101 = arith.addf %add3A_96, %get3A_100 : vector<16xf32>
      %swap3A = arith.constant 0 : i32
      %swap3A_102 = arith.index_cast %swap3A : i32 to index
      %swap3A_103 = arith.index_cast %mul3A_23 : i32 to index
      %swap3A_104 = tpu.vector_load %arg7[%swap3A_102, %swap3A_103] {strides = array<i32>} : memref<1x640xf32, #tpu.memory_space<vmem>>, vector<16xf32>,
      tpu.vector_store %arg7[%swap3A_102, %swap3A_103], %add3A_101 {strides = array<i32>} : memref<1x640xf32, #tpu.memory_space<vmem>>, vector<16xf32>,
    }
    %scan3A_17 = arith.constant 40 : i32
    "tpu.region"() ({
      %run_scoped3A = tpu.sem_alloc : memref<!tpu.dma_semaphore, #tpu.memory_space<semaphore_mem>>
      %dma_start3A = tpu.memref_slice %arg3[%arg0, %mul3A_0] : memref<2x10240xf32, #tpu.memory_space<hbm>> -> memref<1x640xf32, #tpu.memory_space<hbm>>
      %dma_start3A_18 = tpu.memref_slice %arg3[%arg0, %mul3A_0] : memref<2x10240xf32, #tpu.memory_space<hbm>> -> memref<1x640xf32, #tpu.memory_space<hbm>>
      tpu.enqueue_dma source(%arg7 : memref<1x640xf32, #tpu.memory_space<vmem>>) target(%dma_start3A_18 : memref<1x640xf32, #tpu.memory_space<hbm>>) target_semaphore(%run_scoped3A : memref<!tpu.dma_semaphore, #tpu.memory_space<semaphore_mem>>)
      %dma_wait3A = tpu.memref_slice %arg3[%arg0, %mul3A_0] : memref<2x10240xf32, #tpu.memory_space<hbm>> -> memref<1x640xf32, #tpu.memory_space<hbm>>
      %dma_wait3A_19 = tpu.memref_slice %arg3[%arg0, %mul3A_0] : memref<2x10240xf32, #tpu.memory_space<hbm>> -> memref<1x640xf32, #tpu.memory_space<hbm>>
      tpu.wait_dma2 semaphore(%run_scoped3A : memref<!tpu.dma_semaphore, #tpu.memory_space<semaphore_mem>>) src(%arg7 : memref<1x640xf32, #tpu.memory_space<vmem>>) dst(%dma_wait3A_19 : memref<1x640xf32, #tpu.memory_space<hbm>>)
      tpu.yield
    }) : () -> ()
    return
  }
}

#map = affine_map<(d0, d1) -> (0, 0)>
#map1 = affine_map<(d0, d1) -> (0, 0, 0, 0)>
#map2 = affine_map<(d0, d1) -> (0, 0, 0)>
module attributes {stable_mosaic.version = 14 : i64} {
  func.func @k(%arg0: i32, %arg1: i32, %arg2: memref<10000x128xf32, #tpu.memory_space<hbm>>, %arg3: memref<2x16x79x128xi32, #tpu.memory_space<hbm>>, %arg4: memref<2x16x79x128xi32, #tpu.memory_space<hbm>>, %arg5: memref<10240x128xf32, #tpu.memory_space<hbm>>, %arg6: memref<2x10240x128xf32, #tpu.memory_space<hbm>>, %arg7: memref<79x128xi32, #tpu.memory_space<vmem>>, %arg8: memref<79x128xi32, #tpu.memory_space<vmem>>, %arg9: memref<128x128xf32, #tpu.memory_space<vmem>>, %arg10: memref<10240x128xf32, #tpu.memory_space<vmem_shared>>, %arg11: memref<!tpu.dma_semaphore, #tpu.memory_space<semaphore_mem>>) attributes {dimension_semantics = [#tpu.dimension_semantics<core_parallel>, #tpu.dimension_semantics<subcore_parallel>], iteration_bounds = array<i64: 2, 16>, scalar_prefetch = 0 : i64, scratch_operands = 5 : i64, tpu.core_type = #tpu.core_type<sc_vector_subcore>, window_params = [{transform_indices = #map}, {transform_indices = #map1}, {transform_indices = #map1}, {transform_indices = #map}, {transform_indices = #map2}]} {
    %mul3A = arith.constant 640 : i32
    %mul3A_0 = arith.muli %arg1, %mul3A : i32
    "tpu.region"() ({
      %run_scoped3A = tpu.sem_alloc : memref<!tpu.dma_semaphore, #tpu.memory_space<semaphore_mem>>
      %dma_start3A = arith.constant 0 : i32
      %dma_start3A_6 = tpu.memref_slice %arg10[%mul3A_0, %dma_start3A] : memref<10240x128xf32, #tpu.memory_space<vmem_shared>> -> memref<640x128xf32, #tpu.memory_space<vmem_shared>>
      %dma_start3A_7 = arith.constant 0 : i32
      %dma_start3A_8 = tpu.memref_slice %arg5[%mul3A_0, %dma_start3A_7] : memref<10240x128xf32, #tpu.memory_space<hbm>> -> memref<640x128xf32, #tpu.memory_space<hbm>>
      tpu.enqueue_dma source(%dma_start3A_8 : memref<640x128xf32, #tpu.memory_space<hbm>>) target(%dma_start3A_6 : memref<640x128xf32, #tpu.memory_space<vmem_shared>>) target_semaphore(%run_scoped3A : memref<!tpu.dma_semaphore, #tpu.memory_space<semaphore_mem>>)
      %dma_wait3A = arith.constant 0 : i32
      %dma_wait3A_9 = tpu.memref_slice %arg10[%mul3A_0, %dma_wait3A] : memref<10240x128xf32, #tpu.memory_space<vmem_shared>> -> memref<640x128xf32, #tpu.memory_space<vmem_shared>>
      %dma_wait3A_10 = arith.constant 0 : i32
      %dma_wait3A_11 = tpu.memref_slice %arg5[%mul3A_0, %dma_wait3A_10] : memref<10240x128xf32, #tpu.memory_space<hbm>> -> memref<640x128xf32, #tpu.memory_space<hbm>>
      tpu.wait_dma2 semaphore(%run_scoped3A : memref<!tpu.dma_semaphore, #tpu.memory_space<semaphore_mem>>) src(%dma_wait3A_11 : memref<640x128xf32, #tpu.memory_space<hbm>>) dst(%dma_wait3A_9 : memref<640x128xf32, #tpu.memory_space<vmem_shared>>)
      tpu.yield
    }) : () -> ()
    "tpu.region"() ({
      %run_scoped3A = tpu.sem_alloc : memref<!tpu.dma_semaphore, #tpu.memory_space<semaphore_mem>>
      %dma_start3A = arith.constant 0 : i32
      %dma_start3A_6 = arith.constant 0 : i32
      %dma_start3A_7 = tpu.memref_slice %arg3[%arg0, %arg1, %dma_start3A, %dma_start3A_6] : memref<2x16x79x128xi32, #tpu.memory_space<hbm>> -> memref<1x1x79x128xi32, #tpu.memory_space<hbm>>
      %dma_start3A_8 = tpu.memref_squeeze %dma_start3A_7 : memref<1x1x79x128xi32, #tpu.memory_space<hbm>> -> memref<79x128xi32, #tpu.memory_space<hbm>>
      %dma_start3A_9 = arith.constant 0 : i32
      %dma_start3A_10 = arith.constant 0 : i32
      %dma_start3A_11 = tpu.memref_slice %arg3[%arg0, %arg1, %dma_start3A_9, %dma_start3A_10] : memref<2x16x79x128xi32, #tpu.memory_space<hbm>> -> memref<1x1x79x128xi32, #tpu.memory_space<hbm>>
      %dma_start3A_12 = tpu.memref_squeeze %dma_start3A_11 : memref<1x1x79x128xi32, #tpu.memory_space<hbm>> -> memref<79x128xi32, #tpu.memory_space<hbm>>
      tpu.enqueue_dma source(%dma_start3A_12 : memref<79x128xi32, #tpu.memory_space<hbm>>) target(%arg7 : memref<79x128xi32, #tpu.memory_space<vmem>>) target_semaphore(%run_scoped3A : memref<!tpu.dma_semaphore, #tpu.memory_space<semaphore_mem>>)
      %dma_wait3A = arith.constant 0 : i32
      %dma_wait3A_13 = arith.constant 0 : i32
      %dma_wait3A_14 = tpu.memref_slice %arg3[%arg0, %arg1, %dma_wait3A, %dma_wait3A_13] : memref<2x16x79x128xi32, #tpu.memory_space<hbm>> -> memref<1x1x79x128xi32, #tpu.memory_space<hbm>>
      %dma_wait3A_15 = tpu.memref_squeeze %dma_wait3A_14 : memref<1x1x79x128xi32, #tpu.memory_space<hbm>> -> memref<79x128xi32, #tpu.memory_space<hbm>>
      %dma_wait3A_16 = arith.constant 0 : i32
      %dma_wait3A_17 = arith.constant 0 : i32
      %dma_wait3A_18 = tpu.memref_slice %arg3[%arg0, %arg1, %dma_wait3A_16, %dma_wait3A_17] : memref<2x16x79x128xi32, #tpu.memory_space<hbm>> -> memref<1x1x79x128xi32, #tpu.memory_space<hbm>>
      %dma_wait3A_19 = tpu.memref_squeeze %dma_wait3A_18 : memref<1x1x79x128xi32, #tpu.memory_space<hbm>> -> memref<79x128xi32, #tpu.memory_space<hbm>>
      tpu.wait_dma2 semaphore(%run_scoped3A : memref<!tpu.dma_semaphore, #tpu.memory_space<semaphore_mem>>) src(%dma_wait3A_19 : memref<79x128xi32, #tpu.memory_space<hbm>>) dst(%arg7 : memref<79x128xi32, #tpu.memory_space<vmem>>)
      tpu.yield
    }) : () -> ()
    "tpu.region"() ({
      %run_scoped3A = tpu.sem_alloc : memref<!tpu.dma_semaphore, #tpu.memory_space<semaphore_mem>>
      %dma_start3A = arith.constant 0 : i32
      %dma_start3A_6 = arith.constant 0 : i32
      %dma_start3A_7 = tpu.memref_slice %arg4[%arg0, %arg1, %dma_start3A, %dma_start3A_6] : memref<2x16x79x128xi32, #tpu.memory_space<hbm>> -> memref<1x1x79x128xi32, #tpu.memory_space<hbm>>
      %dma_start3A_8 = tpu.memref_squeeze %dma_start3A_7 : memref<1x1x79x128xi32, #tpu.memory_space<hbm>> -> memref<79x128xi32, #tpu.memory_space<hbm>>
      %dma_start3A_9 = arith.constant 0 : i32
      %dma_start3A_10 = arith.constant 0 : i32
      %dma_start3A_11 = tpu.memref_slice %arg4[%arg0, %arg1, %dma_start3A_9, %dma_start3A_10] : memref<2x16x79x128xi32, #tpu.memory_space<hbm>> -> memref<1x1x79x128xi32, #tpu.memory_space<hbm>>
      %dma_start3A_12 = tpu.memref_squeeze %dma_start3A_11 : memref<1x1x79x128xi32, #tpu.memory_space<hbm>> -> memref<79x128xi32, #tpu.memory_space<hbm>>
      tpu.enqueue_dma source(%dma_start3A_12 : memref<79x128xi32, #tpu.memory_space<hbm>>) target(%arg8 : memref<79x128xi32, #tpu.memory_space<vmem>>) target_semaphore(%run_scoped3A : memref<!tpu.dma_semaphore, #tpu.memory_space<semaphore_mem>>)
      %dma_wait3A = arith.constant 0 : i32
      %dma_wait3A_13 = arith.constant 0 : i32
      %dma_wait3A_14 = tpu.memref_slice %arg4[%arg0, %arg1, %dma_wait3A, %dma_wait3A_13] : memref<2x16x79x128xi32, #tpu.memory_space<hbm>> -> memref<1x1x79x128xi32, #tpu.memory_space<hbm>>
      %dma_wait3A_15 = tpu.memref_squeeze %dma_wait3A_14 : memref<1x1x79x128xi32, #tpu.memory_space<hbm>> -> memref<79x128xi32, #tpu.memory_space<hbm>>
      %dma_wait3A_16 = arith.constant 0 : i32
      %dma_wait3A_17 = arith.constant 0 : i32
      %dma_wait3A_18 = tpu.memref_slice %arg4[%arg0, %arg1, %dma_wait3A_16, %dma_wait3A_17] : memref<2x16x79x128xi32, #tpu.memory_space<hbm>> -> memref<1x1x79x128xi32, #tpu.memory_space<hbm>>
      %dma_wait3A_19 = tpu.memref_squeeze %dma_wait3A_18 : memref<1x1x79x128xi32, #tpu.memory_space<hbm>> -> memref<79x128xi32, #tpu.memory_space<hbm>>
      tpu.wait_dma2 semaphore(%run_scoped3A : memref<!tpu.dma_semaphore, #tpu.memory_space<semaphore_mem>>) src(%dma_wait3A_19 : memref<79x128xi32, #tpu.memory_space<hbm>>) dst(%arg8 : memref<79x128xi32, #tpu.memory_space<vmem>>)
      tpu.yield
    }) : () -> ()
    %barrier3A = arith.constant 0 : index
    tpu.barrier barrier_id(%barrier3A)
    %scan3A = arith.constant 0 : i32
    %scan3A_1 = arith.constant 79 : i32
    %scan3A_2 = arith.addi %scan3A, %scan3A_1 : i32
    %scan3A_3 = arith.constant 1 : i32
    scf.for %scan3A_6 = %scan3A to %scan3A_2 step %scan3A_3  : i32 {
      %mul3A_7 = arith.constant 1 : i32
      %mul3A_8 = arith.muli %scan3A_6, %mul3A_7 : i32
      %add3A = arith.constant 0 : i32
      %add3A_9 = arith.addi %add3A, %mul3A_8 : i32
      %dma_start3A = arith.constant 0 : i32
      %dma_start3A_10 = tpu.memref_slice %arg7[%add3A_9, %dma_start3A] : memref<79x128xi32, #tpu.memory_space<vmem>> -> memref<1x128xi32, #tpu.memory_space<vmem>>
      %dma_start3A_11 = tpu.memref_squeeze %dma_start3A_10 : memref<1x128xi32, #tpu.memory_space<vmem>> -> memref<128xi32, #tpu.memory_space<vmem>>
      %dma_start3A_12 = arith.constant 0 : i32
      %dma_start3A_13 = arith.constant 0 : i32
      %dma_start3A_14 = tpu.memref_slice %arg2[%dma_start3A_12, %dma_start3A_13] : memref<10000x128xf32, #tpu.memory_space<hbm>> -> memref<10000x128xf32, #tpu.memory_space<hbm>>
      tpu.enqueue_indirect_dma source(%dma_start3A_14 : memref<10000x128xf32, #tpu.memory_space<hbm>>) target(%arg9 : memref<128x128xf32, #tpu.memory_space<vmem>>) offsets(%dma_start3A_11 : memref<128xi32, #tpu.memory_space<vmem>>) semaphore(%arg11 : memref<!tpu.dma_semaphore, #tpu.memory_space<semaphore_mem>>)
      %dma_wait3A = arith.constant 0 : i32
      %dma_wait3A_15 = tpu.memref_slice %arg7[%add3A_9, %dma_wait3A] : memref<79x128xi32, #tpu.memory_space<vmem>> -> memref<1x128xi32, #tpu.memory_space<vmem>>
      %dma_wait3A_16 = tpu.memref_squeeze %dma_wait3A_15 : memref<1x128xi32, #tpu.memory_space<vmem>> -> memref<128xi32, #tpu.memory_space<vmem>>
      %dma_wait3A_17 = arith.constant 0 : i32
      %dma_wait3A_18 = arith.constant 0 : i32
      %dma_wait3A_19 = tpu.memref_slice %arg2[%dma_wait3A_17, %dma_wait3A_18] : memref<10000x128xf32, #tpu.memory_space<hbm>> -> memref<10000x128xf32, #tpu.memory_space<hbm>>
      tpu.wait_indirect_dma semaphore(%arg11 : memref<!tpu.dma_semaphore, #tpu.memory_space<semaphore_mem>>) src(%dma_wait3A_19 : memref<10000x128xf32, #tpu.memory_space<hbm>>) dst(%arg9 : memref<128x128xf32, #tpu.memory_space<vmem>>)
      "tpu.region"() ({
        %run_scoped3A = tpu.sem_alloc : memref<!tpu.dma_semaphore, #tpu.memory_space<semaphore_mem>>
        %dma_start3A_20 = arith.constant 0 : i32
        %dma_start3A_21 = tpu.memref_slice %arg8[%add3A_9, %dma_start3A_20] : memref<79x128xi32, #tpu.memory_space<vmem>> -> memref<1x128xi32, #tpu.memory_space<vmem>>
        %dma_start3A_22 = tpu.memref_squeeze %dma_start3A_21 : memref<1x128xi32, #tpu.memory_space<vmem>> -> memref<128xi32, #tpu.memory_space<vmem>>
        %dma_start3A_23 = arith.constant 0 : i32
        %dma_start3A_24 = arith.constant 0 : i32
        %dma_start3A_25 = tpu.memref_slice %arg10[%dma_start3A_23, %dma_start3A_24] : memref<10240x128xf32, #tpu.memory_space<vmem_shared>> -> memref<10240x128xf32, #tpu.memory_space<vmem_shared>>
        tpu.enqueue_indirect_dma source(%arg9 : memref<128x128xf32, #tpu.memory_space<vmem>>) target(%dma_start3A_25 : memref<10240x128xf32, #tpu.memory_space<vmem_shared>>) offsets(%dma_start3A_22 : memref<128xi32, #tpu.memory_space<vmem>>) semaphore(%run_scoped3A : memref<!tpu.dma_semaphore, #tpu.memory_space<semaphore_mem>>) {add = true}
        %dma_wait3A_26 = arith.constant 0 : i32
        %dma_wait3A_27 = tpu.memref_slice %arg8[%add3A_9, %dma_wait3A_26] : memref<79x128xi32, #tpu.memory_space<vmem>> -> memref<1x128xi32, #tpu.memory_space<vmem>>
        %dma_wait3A_28 = tpu.memref_squeeze %dma_wait3A_27 : memref<1x128xi32, #tpu.memory_space<vmem>> -> memref<128xi32, #tpu.memory_space<vmem>>
        %dma_wait3A_29 = arith.constant 0 : i32
        %dma_wait3A_30 = arith.constant 0 : i32
        %dma_wait3A_31 = tpu.memref_slice %arg10[%dma_wait3A_29, %dma_wait3A_30] : memref<10240x128xf32, #tpu.memory_space<vmem_shared>> -> memref<10240x128xf32, #tpu.memory_space<vmem_shared>>
        tpu.wait_indirect_dma semaphore(%run_scoped3A : memref<!tpu.dma_semaphore, #tpu.memory_space<semaphore_mem>>) src(%arg9 : memref<128x128xf32, #tpu.memory_space<vmem>>) dst(%dma_wait3A_31 : memref<10240x128xf32, #tpu.memory_space<vmem_shared>>)
        tpu.yield
      }) : () -> ()
    }
    %scan3A_4 = arith.constant 79 : i32
    %barrier3A_5 = arith.constant 0 : index
    tpu.barrier barrier_id(%barrier3A_5)
    "tpu.region"() ({
      %run_scoped3A = tpu.sem_alloc : memref<!tpu.dma_semaphore, #tpu.memory_space<semaphore_mem>>
      %dma_start3A = arith.constant 0 : i32
      %dma_start3A_6 = tpu.memref_slice %arg6[%arg0, %mul3A_0, %dma_start3A] : memref<2x10240x128xf32, #tpu.memory_space<hbm>> -> memref<1x640x128xf32, #tpu.memory_space<hbm>>
      %dma_start3A_7 = tpu.memref_squeeze %dma_start3A_6 : memref<1x640x128xf32, #tpu.memory_space<hbm>> -> memref<640x128xf32, #tpu.memory_space<hbm>>
      %dma_start3A_8 = arith.constant 0 : i32
      %dma_start3A_9 = tpu.memref_slice %arg10[%mul3A_0, %dma_start3A_8] : memref<10240x128xf32, #tpu.memory_space<vmem_shared>> -> memref<640x128xf32, #tpu.memory_space<vmem_shared>>
      tpu.enqueue_dma source(%dma_start3A_9 : memref<640x128xf32, #tpu.memory_space<vmem_shared>>) target(%dma_start3A_7 : memref<640x128xf32, #tpu.memory_space<hbm>>) target_semaphore(%run_scoped3A : memref<!tpu.dma_semaphore, #tpu.memory_space<semaphore_mem>>)
      %dma_wait3A = arith.constant 0 : i32
      %dma_wait3A_10 = tpu.memref_slice %arg6[%arg0, %mul3A_0, %dma_wait3A] : memref<2x10240x128xf32, #tpu.memory_space<hbm>> -> memref<1x640x128xf32, #tpu.memory_space<hbm>>
      %dma_wait3A_11 = tpu.memref_squeeze %dma_wait3A_10 : memref<1x640x128xf32, #tpu.memory_space<hbm>> -> memref<640x128xf32, #tpu.memory_space<hbm>>
      %dma_wait3A_12 = arith.constant 0 : i32
      %dma_wait3A_13 = tpu.memref_slice %arg10[%mul3A_0, %dma_wait3A_12] : memref<10240x128xf32, #tpu.memory_space<vmem_shared>> -> memref<640x128xf32, #tpu.memory_space<vmem_shared>>
      tpu.wait_dma2 semaphore(%run_scoped3A : memref<!tpu.dma_semaphore, #tpu.memory_space<semaphore_mem>>) src(%dma_wait3A_13 : memref<640x128xf32, #tpu.memory_space<vmem_shared>>) dst(%dma_wait3A_11 : memref<640x128xf32, #tpu.memory_space<hbm>>)
      tpu.yield
    }) : () -> ()
    return
  }
}

module attributes {stable_mosaic.version = 14 : i64} {
  func.func @_tc1_body(%arg0: i32, %arg1: memref<1000x128xf32, #tpu.memory_space<vmem>>, %arg2: memref<2x1000x128xf32, #tpu.memory_space<vmem>>, %arg3: memref<1000x2xf32, #tpu.memory_space<vmem>>, %arg4: memref<128x128xf32, #tpu.memory_space<vmem>>, %arg5: memref<128x128xf32, #tpu.memory_space<vmem>>, %arg6: memref<1x128xf32, #tpu.memory_space<vmem>>, %arg7: memref<128x128xf32, #tpu.memory_space<vmem>>, %arg8: memref<1x128xf32, #tpu.memory_space<vmem>>, %arg9: memref<1000x128xf32, #tpu.memory_space<vmem>>) attributes {dimension_semantics = [#tpu.dimension_semantics<arbitrary>], iteration_bounds = array<i64: 10>, scalar_prefetch = 0 : i64, scratch_operands = 0 : i64, tpu.core_type = #tpu.core_type<tc>, window_params = [{transform_indices = @transform_0, window_bounds = array<i64: 1000, 128>}, {transform_indices = @transform_1, window_bounds = array<i64: 2, 1000, 128>}, {transform_indices = @transform_2, window_bounds = array<i64: 1000, 2>}, {pipeline_mode = #tpu.pipeline_mode<synchronous>, transform_indices = @transform_3, window_bounds = array<i64: 128, 128>}, {pipeline_mode = #tpu.pipeline_mode<synchronous>, transform_indices = @transform_4, window_bounds = array<i64: 128, 128>}, {pipeline_mode = #tpu.pipeline_mode<synchronous>, transform_indices = @transform_5, window_bounds = array<i64: 1, 128>}, {pipeline_mode = #tpu.pipeline_mode<synchronous>, transform_indices = @transform_6, window_bounds = array<i64: 128, 128>}, {pipeline_mode = #tpu.pipeline_mode<synchronous>, transform_indices = @transform_7, window_bounds = array<i64: 1, 128>}, {transform_indices = @transform_8, window_bounds = array<i64: 1000, 128>}]} {
    %get3A = arith.constant 0 : index
    %get3A_0 = arith.constant 0 : index
    %get3A_1 = vector.load %arg3[%get3A, %get3A_0] : memref<1000x2xf32, #tpu.memory_space<vmem>>, vector<1000x1xf32>
    %get3A_2 = arith.constant 0 : index
    %get3A_3 = arith.constant 1 : index
    %get3A_4 = vector.load %arg3[%get3A_2, %get3A_3] : memref<1000x2xf32, #tpu.memory_space<vmem>>, vector<1000x1xf32>
    %add3A = arith.addf %get3A_1, %get3A_4 : vector<1000x1xf32>
    %get3A_5 = arith.constant 0 : index
    %get3A_6 = arith.constant 0 : index
    %get3A_7 = arith.constant 0 : index
    %get3A_8 = vector.load %arg2[%get3A_5, %get3A_6, %get3A_7] : memref<2x1000x128xf32, #tpu.memory_space<vmem>>, vector<1x1000x128xf32>
    %get3A_9 = vector.shape_cast %get3A_8 : vector<1x1000x128xf32> to vector<1000x128xf32>
    %get3A_10 = arith.constant 1 : index
    %get3A_11 = arith.constant 0 : index
    %get3A_12 = arith.constant 0 : index
    %get3A_13 = vector.load %arg2[%get3A_10, %get3A_11, %get3A_12] : memref<2x1000x128xf32, #tpu.memory_space<vmem>>, vector<1x1000x128xf32>
    %get3A_14 = vector.shape_cast %get3A_13 : vector<1x1000x128xf32> to vector<1000x128xf32>
    %add3A_15 = arith.addf %get3A_9, %get3A_14 : vector<1000x128xf32>
    %max3A = arith.constant 1.000000e+00 : f32
    %max3A_16 = vector.broadcast %max3A : f32 to vector<1000x1xf32>
    %max3A_17 = arith.maximumf %add3A, %max3A_16 : vector<1000x1xf32>
    %div3A = vector.broadcast %max3A_17 : vector<1000x1xf32> to vector<1000x128xf32>
    %div3A_18 = arith.divf %add3A_15, %div3A : vector<1000x128xf32>
    %get3A_19 = arith.constant 0 : index
    %get3A_20 = arith.constant 0 : index
    %get3A_21 = vector.load %arg1[%get3A_19, %get3A_20] : memref<1000x128xf32, #tpu.memory_space<vmem>>, vector<1000x128xf32>
    %get3A_22 = arith.constant 0 : index
    %get3A_23 = arith.constant 0 : index
    %get3A_24 = vector.load %arg4[%get3A_22, %get3A_23] : memref<128x128xf32, #tpu.memory_space<vmem>>, vector<128x128xf32>
    %dot_general3A = arith.constant dense<0.000000e+00> : vector<1000x128xf32>
    %dot_general3A_25 = tpu.matmul %get3A_21, %get3A_24, %dot_general3A {dimension_numbers = #tpu.dot_dimension_numbers<[1], [0], [0], [1], [0, 0, 1, 1], [], []>, transpose_lhs_hint = false} : vector<1000x128xf32>, vector<128x128xf32>, vector<1000x128xf32> -> vector<1000x128xf32>
    %get3A_26 = arith.constant 0 : index
    %get3A_27 = arith.constant 0 : index
    %get3A_28 = vector.load %arg5[%get3A_26, %get3A_27] : memref<128x128xf32, #tpu.memory_space<vmem>>, vector<128x128xf32>
    %dot_general3A_29 = arith.constant dense<0.000000e+00> : vector<1000x128xf32>
    %dot_general3A_30 = tpu.matmul %div3A_18, %get3A_28, %dot_general3A_29 {dimension_numbers = #tpu.dot_dimension_numbers<[1], [0], [0], [1], [0, 0, 1, 1], [], []>, transpose_lhs_hint = false} : vector<1000x128xf32>, vector<128x128xf32>, vector<1000x128xf32> -> vector<1000x128xf32>
    %add3A_31 = arith.addf %dot_general3A_25, %dot_general3A_30 : vector<1000x128xf32>
    %get3A_32 = arith.constant 0 : index
    %get3A_33 = arith.constant 0 : index
    %get3A_34 = vector.load %arg6[%get3A_32, %get3A_33] : memref<1x128xf32, #tpu.memory_space<vmem>>, vector<1x128xf32>
    %add3A_35 = vector.broadcast %get3A_34 : vector<1x128xf32> to vector<1000x128xf32>
    %add3A_36 = arith.addf %add3A_31, %add3A_35 : vector<1000x128xf32>
    %max3A_37 = arith.constant 0.000000e+00 : f32
    %max3A_38 = vector.broadcast %max3A_37 : f32 to vector<1000x128xf32>
    %max3A_39 = arith.maximumf %add3A_36, %max3A_38 : vector<1000x128xf32>
    %get3A_40 = arith.constant 0 : index
    %get3A_41 = arith.constant 0 : index
    %get3A_42 = vector.load %arg7[%get3A_40, %get3A_41] : memref<128x128xf32, #tpu.memory_space<vmem>>, vector<128x128xf32>
    %dot_general3A_43 = arith.constant dense<0.000000e+00> : vector<1000x128xf32>
    %dot_general3A_44 = tpu.matmul %max3A_39, %get3A_42, %dot_general3A_43 {dimension_numbers = #tpu.dot_dimension_numbers<[1], [0], [0], [1], [0, 0, 1, 1], [], []>, transpose_lhs_hint = false} : vector<1000x128xf32>, vector<128x128xf32>, vector<1000x128xf32> -> vector<1000x128xf32>
    %get3A_45 = arith.constant 0 : index
    %get3A_46 = arith.constant 0 : index
    %get3A_47 = vector.load %arg8[%get3A_45, %get3A_46] : memref<1x128xf32, #tpu.memory_space<vmem>>, vector<1x128xf32>
    %add3A_48 = vector.broadcast %get3A_47 : vector<1x128xf32> to vector<1000x128xf32>
    %add3A_49 = arith.addf %dot_general3A_44, %add3A_48 : vector<1000x128xf32>
    %swap3A = arith.constant 0 : index
    %swap3A_50 = arith.constant 0 : index
    %swap3A_51 = vector.load %arg9[%swap3A, %swap3A_50] : memref<1000x128xf32, #tpu.memory_space<vmem>>, vector<1000x128xf32>
    tpu.vector_store %arg9[%swap3A, %swap3A_50], %add3A_49 {strides = array<i32>} : memref<1000x128xf32, #tpu.memory_space<vmem>>, vector<1000x128xf32>,
    return
  }
  func.func @transform_0(%arg0: i32) -> (i32, i32) {
    %c0_i32 = arith.constant 0 : i32
    %c0_i32_0 = arith.constant 0 : i32
    return %arg0, %c0_i32 : i32, i32
  }
  func.func @transform_1(%arg0: i32) -> (i32, i32, i32) {
    %c0_i32 = arith.constant 0 : i32
    %c0_i32_0 = arith.constant 0 : i32
    %c0_i32_1 = arith.constant 0 : i32
    return %c0_i32, %arg0, %c0_i32_0 : i32, i32, i32
  }
  func.func @transform_2(%arg0: i32) -> (i32, i32) {
    %c0_i32 = arith.constant 0 : i32
    %c0_i32_0 = arith.constant 0 : i32
    return %arg0, %c0_i32 : i32, i32
  }
  func.func @transform_3(%arg0: i32) -> (i32, i32) {
    %c0_i32 = arith.constant 0 : i32
    %c0_i32_0 = arith.constant 0 : i32
    %c0_i32_1 = arith.constant 0 : i32
    return %c0_i32, %c0_i32_0 : i32, i32
  }
  func.func @transform_4(%arg0: i32) -> (i32, i32) {
    %c0_i32 = arith.constant 0 : i32
    %c0_i32_0 = arith.constant 0 : i32
    %c0_i32_1 = arith.constant 0 : i32
    return %c0_i32, %c0_i32_0 : i32, i32
  }
  func.func @transform_5(%arg0: i32) -> (i32, i32) {
    %c0_i32 = arith.constant 0 : i32
    %c0_i32_0 = arith.constant 0 : i32
    %c0_i32_1 = arith.constant 0 : i32
    return %c0_i32, %c0_i32_0 : i32, i32
  }
  func.func @transform_6(%arg0: i32) -> (i32, i32) {
    %c0_i32 = arith.constant 0 : i32
    %c0_i32_0 = arith.constant 0 : i32
    %c0_i32_1 = arith.constant 0 : i32
    return %c0_i32, %c0_i32_0 : i32, i32
  }
  func.func @transform_7(%arg0: i32) -> (i32, i32) {
    %c0_i32 = arith.constant 0 : i32
    %c0_i32_0 = arith.constant 0 : i32
    %c0_i32_1 = arith.constant 0 : i32
    return %c0_i32, %c0_i32_0 : i32, i32
  }
  func.func @transform_8(%arg0: i32) -> (i32, i32) {
    %c0_i32 = arith.constant 0 : i32
    %c0_i32_0 = arith.constant 0 : i32
    return %arg0, %c0_i32 : i32, i32
  }
}

module attributes {stable_mosaic.version = 14 : i64} {
  func.func @_tc2_body(%arg0: i32, %arg1: memref<1000x128xf32, #tpu.memory_space<vmem>>, %arg2: memref<2x1000x128xf32, #tpu.memory_space<vmem>>, %arg3: memref<1000x2xf32, #tpu.memory_space<vmem>>, %arg4: memref<1000x40xf32, #tpu.memory_space<vmem>>) attributes {dimension_semantics = [#tpu.dimension_semantics<arbitrary>], iteration_bounds = array<i64: 10>, scalar_prefetch = 0 : i64, scratch_operands = 0 : i64, tpu.core_type = #tpu.core_type<tc>, window_params = [{transform_indices = @transform_0, window_bounds = array<i64: 1000, 128>}, {transform_indices = @transform_1, window_bounds = array<i64: 2, 1000, 128>}, {transform_indices = @transform_2, window_bounds = array<i64: 1000, 2>}, {transform_indices = @transform_3, window_bounds = array<i64: 1000, 40>}]} {
    %get3A = arith.constant 0 : index
    %get3A_0 = arith.constant 0 : index
    %get3A_1 = vector.load %arg3[%get3A, %get3A_0] : memref<1000x2xf32, #tpu.memory_space<vmem>>, vector<1000x1xf32>
    %get3A_2 = arith.constant 0 : index
    %get3A_3 = arith.constant 1 : index
    %get3A_4 = vector.load %arg3[%get3A_2, %get3A_3] : memref<1000x2xf32, #tpu.memory_space<vmem>>, vector<1000x1xf32>
    %add3A = arith.addf %get3A_1, %get3A_4 : vector<1000x1xf32>
    %get3A_5 = arith.constant 0 : index
    %get3A_6 = arith.constant 0 : index
    %get3A_7 = arith.constant 0 : index
    %get3A_8 = vector.load %arg2[%get3A_5, %get3A_6, %get3A_7] : memref<2x1000x128xf32, #tpu.memory_space<vmem>>, vector<1x1000x64xf32>
    %get3A_9 = vector.shape_cast %get3A_8 : vector<1x1000x64xf32> to vector<1000x64xf32>
    %get3A_10 = arith.constant 1 : index
    %get3A_11 = arith.constant 0 : index
    %get3A_12 = arith.constant 0 : index
    %get3A_13 = vector.load %arg2[%get3A_10, %get3A_11, %get3A_12] : memref<2x1000x128xf32, #tpu.memory_space<vmem>>, vector<1x1000x64xf32>
    %get3A_14 = vector.shape_cast %get3A_13 : vector<1x1000x64xf32> to vector<1000x64xf32>
    %add3A_15 = arith.addf %get3A_9, %get3A_14 : vector<1000x64xf32>
    %max3A = arith.constant 1.000000e+00 : f32
    %max3A_16 = vector.broadcast %max3A : f32 to vector<1000x1xf32>
    %max3A_17 = arith.maximumf %add3A, %max3A_16 : vector<1000x1xf32>
    %div3A = vector.broadcast %max3A_17 : vector<1000x1xf32> to vector<1000x64xf32>
    %div3A_18 = arith.divf %add3A_15, %div3A : vector<1000x64xf32>
    %get3A_19 = arith.constant 0 : index
    %get3A_20 = arith.constant 64 : index
    %get3A_21 = vector.load %arg1[%get3A_19, %get3A_20] : memref<1000x128xf32, #tpu.memory_space<vmem>>, vector<1000x64xf32>
    %add3A_22 = arith.addf %get3A_21, %div3A_18 : vector<1000x64xf32>
    %iota3A = tpu.iota {dimensions = array<i32: 1>} : vector<1000x64xi32>
    %lt3A = arith.constant 40 : i32
    %lt3A_23 = vector.broadcast %lt3A : i32 to vector<1000x64xi32>
    %lt3A_24 = arith.cmpi slt, %iota3A, %lt3A_23 : vector<1000x64xi32>
    %jit3A = arith.constant 0xFF800000 : f32
    %broadcast_in_dim3A = vector.broadcast %jit3A : f32 to vector<1000x64xf32>
    %select_n3A = arith.select %lt3A_24, %add3A_22, %broadcast_in_dim3A : vector<1000x64xi1>, vector<1000x64xf32>
    %reduce_max3A = arith.constant dense<0xFF800000> : vector<1000xf32>
    %reduce_max3A_25 = vector.multi_reduction <maximumf>, %select_n3A, %reduce_max3A [1] : vector<1000x64xf32> to vector<1000xf32>
    %broadcast_in_dim3A_26 = vector.shape_cast %reduce_max3A_25 : vector<1000xf32> to vector<1000x1xf32>
    %sub3A = vector.broadcast %broadcast_in_dim3A_26 : vector<1000x1xf32> to vector<1000x64xf32>
    %sub3A_27 = arith.subf %add3A_22, %sub3A : vector<1000x64xf32>
    %exp3A = math.exp %sub3A_27 : vector<1000x64xf32>
    %jit3A_28 = arith.constant 0.000000e+00 : f32
    %broadcast_in_dim3A_29 = vector.broadcast %jit3A_28 : f32 to vector<1000x64xf32>
    %select_n3A_30 = arith.select %lt3A_24, %exp3A, %broadcast_in_dim3A_29 : vector<1000x64xi1>, vector<1000x64xf32>
    %reduce_sum3A = arith.constant dense<0.000000e+00> : vector<1000xf32>
    %reduce_sum3A_31 = vector.multi_reduction <add>, %select_n3A_30, %reduce_sum3A [1] : vector<1000x64xf32> to vector<1000xf32>
    %broadcast_in_dim3A_32 = vector.shape_cast %reduce_sum3A_31 : vector<1000xf32> to vector<1000x1xf32>
    %log3A = math.log %broadcast_in_dim3A_32 : vector<1000x1xf32>
    %sub3A_33 = vector.broadcast %broadcast_in_dim3A_26 : vector<1000x1xf32> to vector<1000x64xf32>
    %sub3A_34 = arith.subf %add3A_22, %sub3A_33 : vector<1000x64xf32>
    %sub3A_35 = vector.broadcast %log3A : vector<1000x1xf32> to vector<1000x64xf32>
    %sub3A_36 = arith.subf %sub3A_34, %sub3A_35 : vector<1000x64xf32>
    %slice3A = vector.extract_strided_slice %sub3A_36 {offsets = [0, 0], sizes = [1000, 40], strides = [1, 1]} : vector<1000x64xf32> to vector<1000x40xf32>
    %swap3A = arith.constant 0 : index
    %swap3A_37 = arith.constant 0 : index
    %swap3A_38 = vector.load %arg4[%swap3A, %swap3A_37] : memref<1000x40xf32, #tpu.memory_space<vmem>>, vector<1000x40xf32>
    tpu.vector_store %arg4[%swap3A, %swap3A_37], %slice3A {strides = array<i32>} : memref<1000x40xf32, #tpu.memory_space<vmem>>, vector<1000x40xf32>,
    return
  }
  func.func @transform_0(%arg0: i32) -> (i32, i32) {
    %c0_i32 = arith.constant 0 : i32
    %c0_i32_0 = arith.constant 0 : i32
    return %arg0, %c0_i32 : i32, i32
  }
  func.func @transform_1(%arg0: i32) -> (i32, i32, i32) {
    %c0_i32 = arith.constant 0 : i32
    %c0_i32_0 = arith.constant 0 : i32
    %c0_i32_1 = arith.constant 0 : i32
    return %c0_i32, %arg0, %c0_i32_0 : i32, i32, i32
  }
  func.func @transform_2(%arg0: i32) -> (i32, i32) {
    %c0_i32 = arith.constant 0 : i32
    %c0_i32_0 = arith.constant 0 : i32
    return %arg0, %c0_i32 : i32, i32
  }
  func.func @transform_3(%arg0: i32) -> (i32, i32) {
    %c0_i32 = arith.constant 0 : i32
    %c0_i32_0 = arith.constant 0 : i32
    return %arg0, %c0_i32 : i32, i32
  }
}

</mosaic_0001>

<sc_bundles>
// kernel: kernel.10.cloned.1.call-start
scs
__scs_entry_jumppad:
0x0: {  	(pc) =	sbr.rel $0x88, $3  }
0x1: {  	(tag) =	ssettag $0x0;
	lr =	simm.s32 $0x1  }
0x2: {  	[smem:$0x3F99] =	sst lr;
	_ =	strace $0xD0000000  }
0x3: {  	_ = 	snop  }
0x4: {  	_ = 	snop  }
0x5: {  	_ = 	snop  }
0x6: {  	_ = 	snop  }
0x7: {  	_ = 	snop  }
__scs_overlays_trampoline_lowered:
0x8: {  	[smem:$0x3FA8] =	sst s0  }
0x9: {  	[smem:$0x3FA9] =	sst s1  }
0xa: {  	[smem:$0x3FAA] =	sst s2  }
0xb: {  	[smem:$0x3FAB] =	sst s3  }
0xc: {  	[smem:$0x3FAC] =	sst s4  }
0xd: {  	[smem:$0x3FAD] =	sst s5  }
0xe: {  	[smem:$0x3FAE] =	sst s6  }
0xf: {  	[smem:$0x3FAF] =	sst s7  }
0x10: {  	[smem:$0x3FB0] =	sst s8  }
0x11: {  	[smem:$0x3FB1] =	sst s9;
	s0 =	simm.s32 @!p0 $0x0  }
0x12: {  	s1 =	sld [smem:$0x3F97];
	s0 =	simm.s32 @p0 $0x1  }
0x13: {  	[smem:$0x3FB2] =	sst s0;
	s0 =	simm.s32 @!p1 $0x0  }
0x14: {  	s2 =	sld [smem:$0x3F96];
	s0 =	simm.s32 @p1 $0x1  }
0x15: {  	[smem:$0x3FB3] =	sst s0;
	s0 =	simm.s32 @!p2 $0x0  }
0x16: {  	s3 =	sld [smem:$0x3FDB];
	s0 =	simm.s32 @p2 $0x1  }
0x17: {  	s4 =	simm.s32 $0x1BF5;
	[smem:$0x3FB5] =	sst s0  }
0x18: {  	s0 =	sld [smem:$0x3F98];
	_ =	swait.ge [sflag:s4], $0x0  }
0x19: {  	s7 =	sld [smem:$0x3F99]  }
0x1a: {  	s8 =	sadd.s32 $0xFFFFE003, lr  }
0x1b: {  	s9 =	sadd.s32 $0xFFFFFEF7, lr;
	s5 =	simm.s32 $0xFFFFFFFF;
	p2 =	slt.u32 s8, $0xFFFFF086  }
0x1c: {  	p1 =	slt.u32 s9, $0xF7A;
	s5 =	simm.s32 @!p2 $0x0  }
0x1d: {  	s5 =	simm.s32 @p1 $0x1;
	p0 =	seq.s32 s7, s2  }
0x1e: {  	s7 =	smul.u32 @!p0 $0xF7A, s2;
	p2 =	seq.s32 @!p0 s5, $0x0  }
0x1f: {  	s9 =	smul.u32 $0xF7A, s1;
	s8 =	simm.s32 @!p0 $0x1BF5;
	p2 =	por !p2, p0  }
0x20: {  	[sflag:s8] =	ssyncset.s32 @!p0 $0xFFFFF086;
	s6 =	sadd.s32 @!p0 s3, s7;
	s7 =	simm.s32 @!p0 $0x108  }
0x21: {  	s3 =	sadd.s32 s3, s9;
	s6 =	sadd.s32 @!p0 $0x88, s6;
	s7 =	simm.s32 @p2 $0x1082  }
0x22: {  	[simem:s7], [sflag:s8] =	dma.local @!p0 [hbm:s6], $0xF7A  }
0x23: {  	s9 =	sor.u32 $0xD0000000, s2;
	s6 =	simm.s32 $0x108;
	_ =	swait.ge @!p0 [sflag:s8], $0x0  }
0x24: {  	s3 =	sadd.s32 $0x88, s3;
	s6 =	simm.s32 @!p1 $0x1082;
	[sflag:s4] =	ssyncset.s32 $0xFFFFF086  }
0x25: {  	[simem:s6], [sflag:s4] =	dma.local [hbm:s3], $0xF7A  }
0x26: {  	[smem:$0x3F99] =	sst s1;
	(tag) =	ssettag s2;
	_ =	strace s9  }
0x27: {  	s1 =	sld [smem:$0x3FA9]  }
0x28: {  	s2 =	sld [smem:$0x3FAA]  }
0x29: {  	s4 =	sld [smem:$0x3FAC]  }
0x2a: {  	p0 =	seq.s32 s5, $0x0;
	s5 =	sld [smem:$0x3FAD]  }
0x2b: {  	s6 =	sld [smem:$0x3FAE]  }
0x2c: {  	s7 =	sld [smem:$0x3FAF]  }
0x2d: {  	s3 =	simm.s32 $0x108;
	s8 =	sld [smem:$0x3FB0]  }
0x2e: {  	s3 =	simm.s32 @!p0 $0x1082;
	s9 =	sld [smem:$0x3FB1]  }
0x2f: {  	lr =	sadd.s32 s0, s3;
	s0 =	sld [smem:$0x3FA8]  }
0x30: {  	s3 =	sld [smem:$0x3FAB]  }
0x31: {  	[smem:$0x3FB4] =	sst s10  }
0x32: {  	s10 =	sld [smem:$0x3FB2];
	_ =	sdelay $0x3  }
0x33: {  	p0 =	seq.s32 s10, $0x1;
	s10 =	sld [smem:$0x3FB4];
	_ =	sdelay $0x3  }
0x34: {  	[smem:$0x3FB4] =	sst s10  }
0x35: {  	s10 =	sld [smem:$0x3FB3];
	_ =	sdelay $0x3  }
0x36: {  	p1 =	seq.s32 s10, $0x1;
	s10 =	sld [smem:$0x3FB4];
	_ =	sdelay $0x3  }
0x37: {  	[smem:$0x3FB4] =	sst s10  }
0x38: {  	s10 =	sld [smem:$0x3FB5]  }
0x39: {  	_ = 	snop;
	(pc) =	sbr.ind lr, $3  }
0x3a: {  	_ = 	snop  }
0x3b: {  	_ = 	snop  }
0x3c: {  	p2 =	seq.s32 s10, $0x1;
	s10 =	sld [smem:$0x3FB4]  }
0x3d: {  	_ =	shalt  }
0x3e: {  	_ =	shalt  }
0x3f: {  	_ =	shalt  }
0x40: {  	_ =	shalt  }
0x41: {  	_ =	shalt  }
0x42: {  	_ =	shalt  }
0x43: {  	_ =	shalt  }
0x44: {  	_ =	shalt  }
0x45: {  	_ =	shalt  }
0x46: {  	_ =	shalt  }
0x47: {  	_ =	shalt  }
0x48: {  	_ =	shalt  }
0x49: {  	_ =	shalt  }
0x4a: {  	_ =	shalt  }
0x4b: {  	_ =	shalt  }
0x4c: {  	_ =	shalt  }
0x4d: {  	_ =	shalt  }
0x4e: {  	_ =	shalt  }
0x4f: {  	_ =	shalt  }
0x50: {  	_ =	shalt  }
0x51: {  	_ =	shalt  }
0x52: {  	_ =	shalt  }
0x53: {  	_ =	shalt  }
0x54: {  	_ =	shalt  }
0x55: {  	_ =	shalt  }
0x56: {  	_ =	shalt  }
0x57: {  	_ =	shalt  }
0x58: {  	_ =	shalt  }
0x59: {  	_ =	shalt  }
0x5a: {  	_ =	shalt  }
0x5b: {  	_ =	shalt  }
0x5c: {  	_ =	shalt  }
0x5d: {  	_ =	shalt  }
0x5e: {  	_ =	shalt  }
0x5f: {  	_ =	shalt  }
0x60: {  	_ =	shalt  }
0x61: {  	_ =	shalt  }
0x62: {  	_ =	shalt  }
0x63: {  	_ =	shalt  }
0x64: {  	_ =	shalt  }
0x65: {  	_ =	shalt  }
0x66: {  	_ =	shalt  }
0x67: {  	_ =	shalt  }
0x68: {  	_ =	shalt  }
0x69: {  	_ =	shalt  }
0x6a: {  	_ =	shalt  }
0x6b: {  	_ =	shalt  }
0x6c: {  	_ =	shalt  }
0x6d: {  	_ =	shalt  }
0x6e: {  	_ =	shalt  }
0x6f: {  	_ =	shalt  }
0x70: {  	_ =	shalt  }
0x71: {  	_ =	shalt  }
0x72: {  	_ =	shalt  }
0x73: {  	_ =	shalt  }
0x74: {  	_ =	shalt  }
0x75: {  	_ =	shalt  }
0x76: {  	_ =	shalt  }
0x77: {  	_ =	shalt  }
0x78: {  	_ =	shalt  }
0x79: {  	_ =	shalt  }
0x7a: {  	_ =	shalt  }
0x7b: {  	_ =	shalt  }
0x7c: {  	_ =	shalt  }
0x7d: {  	_ =	shalt  }
0x7e: {  	_ =	shalt  }
0x7f: {  	_ =	shalt  }
0x80: {  	_ =	shalt  }
0x81: {  	_ =	shalt  }
0x82: {  	_ =	shalt  }
0x83: {  	_ =	shalt  }
0x84: {  	_ =	shalt  }
0x85: {  	_ =	shalt  }
0x86: {  	_ =	shalt  }
0x87: {  	_ =	shalt  }
.Lfunc_end0:
.L_simem_size_0:
called_computation.1_lowered:
.L_overlay_start_0:
0x88: {  	s2 =	sld [smem:$0x3FD9]  }
0x89: {  	s3 =	sld [smem:$0x3FFE];
	_ =	sdelay $0x1  }
0x8a: {  	s1 =	srdreg.scid  }
0x8b: {  	s0 =	sand.u32 $0x1, s1  }
0x8c: {  	s17 =	sshll.u32 s0, $0xA;
	s2 =	sadd.s32 s3, s2  }
0x8d: {  	s2 =	sadd.s32 s2, s17  }
0x8e: {  	[smem:$0x3FC0] =	sst s2  }
0x8f: {  	_ = 	snop  }
0x90: {  	s18 =	sld [smem:$0x3FC9]  }
0x91: {  	s4 =	sld [smem:$0x3FD0];
	(tm) =	ssettm $0x1  }
0x92: {  	s19 =	sld [smem:$0x3FFB];
	_ =	sdelay $0x3  }
0x93: {  	_ =	strace s19  }
0x94: {  	s2 =	sld [smem:$0x3FFC];
	_ =	sdelay $0x3  }
0x95: {  	_ =	strace s2  }
0x96: {  	s2 =	sld [smem:$0x3FFD];
	_ =	sdelay $0x3  }
0x97: {  	_ =	strace s2  }
0x98: {  	_ =	strace $0x8FFFFFFF  }
0x99: {  	s20 =	sld [smem:$0x3FDB];
	_ =	sdelay $0x1  }
0x9a: {  	s5 =	simm.s32 $_scs_section_size  }
0x9b: {  	s6 =	simm.s32 $_size__tile_overlayer_lowered;
	s7 =	simm.s32 $_tile_overlayer_lowered  }
0x9c: {  	s8 =	simm.s32 $0x1BFF;
	s21 =	sshll.u32 s7, $0x1;
	s5 =	sadd.s32 s5, s20  }
0x9d: {  	s22 =	simm.s32 $0x0;
	s6 =	sshll.u32 s6, $0x1;
	s7 =	sadd.s32 s21, s5  }
0x9e: {  	[timem:s22], [sflag:s8] =	dma.local [hbm:s7], s6  }
0x9f: {  	_ =	swait.ge [sflag:s8], s6  }
0xa0: {  	s6 =	ssub.s32 $0x0, s6;
	[sflag:s8] =	ssyncset.done $0x0  }
0xa1: {  	[sflag:s8] =	ssyncadd.s32 s6;
	_ =	sdelay $0x1  }
0xa2: {  	s23 =	simm.s32 $0x1B8B  }
0xa3: {  	_ =	swait.ge [sflag:s23], $0x1  }
0xa4: {  	[sflag:s23] =	ssyncset.done $0x0  }
0xa5: {  	[sflag:s23] =	ssyncadd.s32 $0xFFFFFFFF  }
0xa6: {  	s6 =	sld [smem:$0x0]  }
0xa7: {  	s7 =	sand.u32 $0xFFFFFFFE, s1  }
0xa8: {  	p0 =	sne.s32 s1, s7  }
0xa9: {  	s7 =	sshll.u32 @p0 s7, $0xE  }
0xaa: {  	s7 =	sadd.s32 @p0 $0x11B8D, s7;
	s8 =	sshll.u32 @p0 s6, $0x11  }
0xab: {  	s7 =	sor.u32 @p0 s8, s7  }
0xac: {  	[sflag:s7] =	ssyncadd.remote.s32 @p0 $0x1;
	_ =	sdelay $0x1  }
0xad: {  	s7 =	simm.s32 @p0 $0x1B8D  }
0xae: {  	_ =	swait.eq @p0 [sflag:s7], $0x1  }
0xaf: {  	[sflag:s7] =	ssyncadd.s32 @p0 $0xFFFFFFFF  }
0xb0: {  	s8 =	sshll.u32 @!p0 s1, $0xE  }
0xb1: {  	s8 =	sor.u32 @!p0 $0x4000, s8;
	s7 =	simm.s32 @!p0 $0x1B8D  }
0xb2: {  	s6 =	sshll.u32 @!p0 s6, $0x11;
	s8 =	sadd.s32 @!p0 $0x11B8D, s8;
	_ =	swait.eq @!p0 [sflag:s7], $0x1  }
0xb3: {  	s6 =	sor.u32 @!p0 s6, s8;
	[sflag:s7] =	ssyncadd.s32 @!p0 $0xFFFFFFFF  }
0xb4: {  	s25 =	simm.s32 $0x1B8E;
	s24 =	sld [smem:$0x3FFE];
	[sflag:s6] =	ssyncadd.remote.s32 @!p0 $0x1  }
0xb5: {  	s26 =	simm.s32 $execute0_lowered;
	[smem:$0x3FD2] =	sst s25  }
0xb6: {  	s7 =	sshll.u32 s26, $0x1;
	_ =	strace $0x80000049;
	[dreg:$0x1] =	wrdreg $0xFFFFFFFF  }
0xb7: {  	s28 =	simm.s32 $_size_execute0_lowered;
	s5 =	sadd.s32 s5, s7;
	[dreg:$0x0] =	wrdreg $0x0  }
0xb8: {  	s7 =	sshll.u32 s28, $0x1;
	[dreg:$0x2] =	wrdreg s5  }
0xb9: {  	[dreg:$0x3] =	wrdreg s7  }
0xba: {  	[dreg:$0x4] =	wrdreg $0xC0  }
0xbb: {  	_ =	task [dreg:s22], $0x5FFFF  }
0xbc: {  	[dreg:$0x1] =	wrdreg $0xFFFFFFFF  }
0xbd: {  	[dreg:$0x0] =	wrdreg $0x60  }
0xbe: {  	[dreg:$0x2] =	wrdreg s18  }
0xbf: {  	[dreg:$0x3] =	wrdreg s4  }
0xc0: {  	[dreg:$0x4] =	wrdreg s24  }
0xc1: {  	[dreg:$0x5] =	wrdreg $0x90000  }
0xc2: {  	[dreg:$0x6] =	wrdreg $0xA  }
0xc3: {  	_ =	task.clear_ibuf [dreg:s22], $0x7FFFF;
	_ =	strace $0x90000049  }
0xc4: {  	s29 =	simm.s32 $0xA;
	_ =	strace $0x8000004B  }
0xc5: {  	_ =	swait.ge [sflag:s29], $0x1  }
0xc6: {  	[sflag:s29] =	ssyncadd.s32 $0xFFFFFFFF  }
0xc7: {  	_ =	strace $0x9000004B  }
0xc8: {  	_ =	sfence  }
0xc9: {  	s30 =	sld [smem:$0x0];
	_ =	sdelay $0x2  }
0xca: {  	s31 =	sshll.u32 s1, $0xD;
	s1 =	sshrl.u32 s1, $0x2  }
0xcb: {  	s4 =	sand.u32 $0x4000, s31;
	s1 =	sadd.s32 s1, s30  }
0xcc: {  	s0 =	sor.u32 s4, s0;
	s1 =	sshll.u32 s1, $0x11  }
0xcd: {  	s0 =	sor.u32 s1, s0  }
0xce: {  	s0 =	sadd.s32 $0x8F2B, s0  }
0xcf: {  	[sflag:s0] =	ssyncadd.remote.s32 $0x1  }
0xd0: {  	_ =	sfence.sel $0xFFFF  }
0xd1: {  	[dreg:$0x0] =	wrdreg $0xFFFFFFFF;
	(pc) =	sbr.abs _section_cstart, $3  }
0xd2: {  	[dreg:$0x1] =	wrdreg $0xFFFFFFFF  }
0xd3: {  	_ =	task.clear_ibuf [dreg:s22], $0x2FFFF;
	_ =	strace $0x9FFFFFFF  }
0xd4: {  	(tm) =	ssettm $0x7FFFFFFF  }
0xd5: {  	_ =	shalt  }
tec
execute0_lowered:
.L_overlay_start_1:
0x0: {  	(tag) =	ssettag $0x1  }
0x1: {  	s0 =	rddreg [dreg:$0x0]  }
0x2: {  	s7 =	rddreg [dreg:$0x1]  }
0x3: {  	s5 =	rddreg [dreg:$0x2]  }
0x4: {  	s1 =	srdreg.scid;
	s3 =	rddreg [dreg:$0x3]  }
0x5: {  	s2 =	rddreg [dreg:$0x4];
	s6 =	sand.u32 $0x1, s1  }
0x6: {  	s4 =	simm.s32 $0x0;
	s1 =	stileid.u32;
	s8 =	smul.u32 $0x28000, s6  }
0x7: {  	s15 =	simm.s32 $0x5000;
	s16 =	simm.s32 $0x1;
	s9 =	smul.u32 $0x2800, s1  }
0x8: {  	s17 =	simm.s32 $0x0;
	[smem:$0x7FF] =	sst s4;
	s28 =	smul.u32 $0x14000, s1  }
0x9: {  	s10 =	smul.u32 $0x140000, s6;
	_ =	strace $0x8000004A;
	s6 =	ssub.s32 $0x2, s6  }
0xa: {  	s29 =	smul.u32 $0x50000, s1;
	s31 =	sshll.u32 s1, $0x6;
	s13 =	sshrl.u32 s6, $0x1  }
0xb: {  	s8 =	sadd.s32 s9, s8;
	s12 =	sshrl.u32 s28, $0x3;
	s9 =	sadd.s32 s28, s10  }
0xc: {  	s13 =	ssub.s32 s6, s13;
	s30 =	sshrl.u32 s29, $0x2;
	s6 =	sor.u32 $0x1C02, s31  }
0xd: {  	s8 =	sshrl.u32 s8, $0x3;
	s12 =	sadd.s32 s12, s5;
	s9 =	sshrl.u32 s9, $0x3  }
0xe: {  	s14 =	sadd.s32 s30, s3;
	s10 =	smax.u32 s13, $0x1;
	s13 =	simm.s32 $0x2800  }
0xf: {  	s11 =	sadd.s32 s8, s5;
	s9 =	sadd.s32 s9, s5;
	s5 =	sadd.s32 $0xC800, s12  }
0x10: {  	s7 =	sadd.s32 s7, s8;
	s12 =	simm.s32 $0x2;
	s8 =	sadd.s32 $0x1E00, s11  }
0x11: {  	s9 =	sadd.s32 $0x34800, s9;
	s11 =	sshrl.u32 s14, $0x3;
	s14 =	simm.s32 $0x80  }
.LBB2_1:
0x12: {  	[spmem:s11], [sflag:s6] =	dma.local [hbm:s5], $0x2800  }
0x13: {  	_ =	swait.ge [sflag:s12], $0x2800  }
0x14: {  	[sflag:s12] =	ssyncset.done $0x0  }
0x15: {  	[sflag:s12] =	ssyncadd.s32 $0xFFFFD800  }
0x16: {  	[tilespmem:s4], [sflag:$0x2] =	stream.linear.gather [hbm4b:s7+s4], $0x2780, $0x38;
	[tilespmem:$0x1D000] =	vst v63  }
0x17: {  	_ =	swait.ge [sflag:s12], $0x2780  }
0x18: {  	[sflag:s12] =	ssyncset.done $0x0  }
0x19: {  	[sflag:s12] =	ssyncadd.s32 $0xFFFFD880  }
0x1a: {  	[tilespmem:s13], [sflag:$0x2] =	stream.linear.gather [hbm4b:s8+s4], $0x2780, $0x38;
	[tilespmem:$0x1D000] =	vst v63  }
0x1b: {  	_ =	swait.ge [sflag:s12], $0x2780  }
0x1c: {  	[sflag:s12] =	ssyncset.done $0x0  }
0x1d: {  	[sflag:s12] =	ssyncadd.s32 $0xFFFFD880  }
0x1e: {  	s18 =	simm.s32 $0x0;
	[bflag:$0x0] =	sbarrier.arrive $0xFFFF  }
0x1f: {  	[tilespmem:s15], [sflag:$0x1] =	stream.indirect.gather [hbm4b:s0+s14], $0x80, s18, s14, $0xb8;
	[tilespmem:$0x1D000] =	vst v63  }
0x20: {  	_ =	swait.ge [sflag:s16], $0x4000  }
0x21: {  	[sflag:s16] =	ssyncset.done $0x0  }
0x22: {  	s31 =	simm.s32 $0x2800;
	[sflag:s16] =	ssyncadd.s32 $0xFFFFC000  }
0x23: {  	[spmem:s3] =	stream.indirect.scatter.add.f32 [tilespmem:s15], [sflag:$0x2], $0x80, s31, s14, $0xb8;
	[tilespmem:$0x1D000] =	vst v63  }
0x24: {  	_ =	swait.ge [sflag:s12], $0x4000  }
0x25: {  	s19 =	simm.s32 $0x400;
	s18 =	simm.s32 $0x200;
	[sflag:s12] =	ssyncset.done $0x0  }
.LBB2_2:
0x26: {  	s20 =	sshra.s32 s18, $0x2  }
0x27: {  	[sflag:s12] =	ssyncadd.s32 $0xFFFFC000;
	s18 =	smov.u32 s19;
	s21 =	sadd.s32 $0x200, s19  }
0x28: {  	[tilespmem:s15], [sflag:$0x1] =	stream.indirect.gather [hbm4b:s0+s14], $0x80, s20, s14, $0xb8;
	[tilespmem:$0x1D000] =	vst v63  }
0x29: {  	p0 =	sne.s32 s19, $0x9C00;
	_ =	swait.ge [sflag:s16], $0x4000  }
.Ltmp0:
0x2a: {  	[sflag:s16] =	ssyncset.done $0x0;
	(pc) =	sbr.rel @p0 .LBB2_2-.Ltmp0, $4  }
0x2b: {  	s19 =	sadd.s32 $0x2800, s20;
	[sflag:s16] =	ssyncadd.s32 $0xFFFFC000  }
0x2c: {  	[spmem:s3] =	stream.indirect.scatter.add.f32 [tilespmem:s15], [sflag:$0x2], $0x80, s19, s14, $0xb8;
	[tilespmem:$0x1D000] =	vst v63  }
0x2d: {  	_ =	swait.ge [sflag:s12], $0x4000  }
0x2e: {  	s19 =	smov.u32 s21;
	[sflag:s12] =	ssyncset.done $0x0  }
0x2f: {  	s18 =	sshra.s32 s18, $0x2;
	[sflag:s12] =	ssyncadd.s32 $0xFFFFC000  }
0x30: {  	[tilespmem:s15], [sflag:$0x1] =	stream.indirect.gather [hbm4b:s0+s14], $0x80, s18, s14, $0xb8;
	[tilespmem:$0x1D000] =	vst v63  }
0x31: {  	_ =	swait.ge [sflag:s16], $0x4000  }
0x32: {  	[sflag:s16] =	ssyncset.done $0x0  }
0x33: {  	s18 =	sadd.s32 $0x2800, s18;
	[sflag:s16] =	ssyncadd.s32 $0xFFFFC000  }
0x34: {  	[spmem:s3] =	stream.indirect.scatter.add.f32 [tilespmem:s15], [sflag:$0x2], $0x80, s18, s14, $0xb8;
	[tilespmem:$0x1D000] =	vst v63  }
0x35: {  	_ =	swait.ge [sflag:s12], $0x4000  }
0x36: {  	s17 =	sadd.s32 $0x1, s17;
	[sflag:s12] =	ssyncset.done $0x0  }
0x37: {  	p0 =	sne.s32 s17, s10;
	[sflag:s12] =	ssyncadd.s32 $0xFFFFC000  }
.Ltmp1:
0x38: {  	[bflag:$0x0] =	sbarrier.arrive $0xFFFF;
	(pc) =	sbr.rel @p0 .LBB2_1-.Ltmp1, $4  }
0x39: {  	[hbm:s9], [sflag:s6] =	dma.local [spmem:s11], $0x2800  }
0x3a: {  	_ =	swait.ge [sflag:s12], $0x2800  }
0x3b: {  	[sflag:s12] =	ssyncset.done $0x0  }
0x3c: {  	[sflag:s12] =	ssyncadd.s32 $0xFFFFD800  }
0x3d: {  	_ =	sfence.sel $0x180000  }
0x3e: {  	[bflag:$0x0] =	sbarrier.arrive $0xFFFF  }
0x3f: {  	p0 =	sne.s32 s1, $0x0;
	_ =	strace $0x9000004A  }
0x40: {  	s0 =	sadd.s32 @!p0 $0x100000, s2;
	[bflag:$0x2] =	sbarrier.arrive $0xFFFF  }
0x41: {  	[sflag:s0] =	ssyncadd.tile.s32 @!p0 $0x1;
	_ =	shalt  }
.Lfunc_end2:
_tile_overlayer_lowered:
.L_overlay_start_2:
0x42: {  	(tag) =	ssettag $0x2  }
0x43: {  	s0 =	rddreg [dreg:$0x0];
	s2 =	stileid.u32  }
0x44: {  	s1 =	rddreg [dreg:$0x1];
	p0 =	sne.s32 s2, $0x0  }
0x45: {  	s3 =	rddreg [dreg:$0x2];
	[bflag:$0x3] =	sbarrier.arrive $0xFFFF;
	s2 =	simm.s32 @!p0 $0x1C02  }
0x46: {  	[timem:s3], [sflag:s2] =	dma.local @!p0 [hbm:s0], s1  }
0x47: {  	s0 =	simm.s32 @!p0 $0x2  }
0x48: {  	_ =	swait.ge @!p0 [sflag:s0], s1  }
0x49: {  	s1 =	ssub.s32 @!p0 $0x0, s1;
	[sflag:s0] =	ssyncset.done @!p0 $0x0  }
0x4a: {  	[sflag:s0] =	ssyncadd.s32 @!p0 s1  }
0x4b: {  	[bflag:$0x3] =	sbarrier.arrive $0xFFFF  }
0x4c: {  	_ =	shalt  }

// kernel: kernel.13.cloned.1.call-start
scs
__scs_entry_jumppad:
0x0: {  	(pc) =	sbr.rel $0x88, $3  }
0x1: {  	(tag) =	ssettag $0x0;
	lr =	simm.s32 $0x1  }
0x2: {  	[smem:$0x3F99] =	sst lr;
	_ =	strace $0xD0000000  }
0x3: {  	_ = 	snop  }
0x4: {  	_ = 	snop  }
0x5: {  	_ = 	snop  }
0x6: {  	_ = 	snop  }
0x7: {  	_ = 	snop  }
__scs_overlays_trampoline_lowered:
0x8: {  	[smem:$0x3FA8] =	sst s0  }
0x9: {  	[smem:$0x3FA9] =	sst s1  }
0xa: {  	[smem:$0x3FAA] =	sst s2  }
0xb: {  	[smem:$0x3FAB] =	sst s3  }
0xc: {  	[smem:$0x3FAC] =	sst s4  }
0xd: {  	[smem:$0x3FAD] =	sst s5  }
0xe: {  	[smem:$0x3FAE] =	sst s6  }
0xf: {  	[smem:$0x3FAF] =	sst s7  }
0x10: {  	[smem:$0x3FB0] =	sst s8  }
0x11: {  	[smem:$0x3FB1] =	sst s9;
	s0 =	simm.s32 @!p0 $0x0  }
0x12: {  	s1 =	sld [smem:$0x3F97];
	s0 =	simm.s32 @p0 $0x1  }
0x13: {  	[smem:$0x3FB2] =	sst s0;
	s0 =	simm.s32 @!p1 $0x0  }
0x14: {  	s2 =	sld [smem:$0x3F96];
	s0 =	simm.s32 @p1 $0x1  }
0x15: {  	[smem:$0x3FB3] =	sst s0;
	s0 =	simm.s32 @!p2 $0x0  }
0x16: {  	s3 =	sld [smem:$0x3FDB];
	s0 =	simm.s32 @p2 $0x1  }
0x17: {  	s4 =	simm.s32 $0x1BF5;
	[smem:$0x3FB5] =	sst s0  }
0x18: {  	s0 =	sld [smem:$0x3F98];
	_ =	swait.ge [sflag:s4], $0x0  }
0x19: {  	s7 =	sld [smem:$0x3F99]  }
0x1a: {  	s8 =	sadd.s32 $0xFFFFE003, lr  }
0x1b: {  	s9 =	sadd.s32 $0xFFFFFEF7, lr;
	s5 =	simm.s32 $0xFFFFFFFF;
	p2 =	slt.u32 s8, $0xFFFFF086  }
0x1c: {  	p1 =	slt.u32 s9, $0xF7A;
	s5 =	simm.s32 @!p2 $0x0  }
0x1d: {  	s5 =	simm.s32 @p1 $0x1;
	p0 =	seq.s32 s7, s2  }
0x1e: {  	s7 =	smul.u32 @!p0 $0xF7A, s2;
	p2 =	seq.s32 @!p0 s5, $0x0  }
0x1f: {  	s9 =	smul.u32 $0xF7A, s1;
	s8 =	simm.s32 @!p0 $0x1BF5;
	p2 =	por !p2, p0  }
0x20: {  	[sflag:s8] =	ssyncset.s32 @!p0 $0xFFFFF086;
	s6 =	sadd.s32 @!p0 s3, s7;
	s7 =	simm.s32 @!p0 $0x108  }
0x21: {  	s3 =	sadd.s32 s3, s9;
	s6 =	sadd.s32 @!p0 $0x88, s6;
	s7 =	simm.s32 @p2 $0x1082  }
0x22: {  	[simem:s7], [sflag:s8] =	dma.local @!p0 [hbm:s6], $0xF7A  }
0x23: {  	s9 =	sor.u32 $0xD0000000, s2;
	s6 =	simm.s32 $0x108;
	_ =	swait.ge @!p0 [sflag:s8], $0x0  }
0x24: {  	s3 =	sadd.s32 $0x88, s3;
	s6 =	simm.s32 @!p1 $0x1082;
	[sflag:s4] =	ssyncset.s32 $0xFFFFF086  }
0x25: {  	[simem:s6], [sflag:s4] =	dma.local [hbm:s3], $0xF7A  }
0x26: {  	[smem:$0x3F99] =	sst s1;
	(tag) =	ssettag s2;
	_ =	strace s9  }
0x27: {  	s1 =	sld [smem:$0x3FA9]  }
0x28: {  	s2 =	sld [smem:$0x3FAA]  }
0x29: {  	s4 =	sld [smem:$0x3FAC]  }
0x2a: {  	p0 =	seq.s32 s5, $0x0;
	s5 =	sld [smem:$0x3FAD]  }
0x2b: {  	s6 =	sld [smem:$0x3FAE]  }
0x2c: {  	s7 =	sld [smem:$0x3FAF]  }
0x2d: {  	s3 =	simm.s32 $0x108;
	s8 =	sld [smem:$0x3FB0]  }
0x2e: {  	s3 =	simm.s32 @!p0 $0x1082;
	s9 =	sld [smem:$0x3FB1]  }
0x2f: {  	lr =	sadd.s32 s0, s3;
	s0 =	sld [smem:$0x3FA8]  }
0x30: {  	s3 =	sld [smem:$0x3FAB]  }
0x31: {  	[smem:$0x3FB4] =	sst s10  }
0x32: {  	s10 =	sld [smem:$0x3FB2];
	_ =	sdelay $0x3  }
0x33: {  	p0 =	seq.s32 s10, $0x1;
	s10 =	sld [smem:$0x3FB4];
	_ =	sdelay $0x3  }
0x34: {  	[smem:$0x3FB4] =	sst s10  }
0x35: {  	s10 =	sld [smem:$0x3FB3];
	_ =	sdelay $0x3  }
0x36: {  	p1 =	seq.s32 s10, $0x1;
	s10 =	sld [smem:$0x3FB4];
	_ =	sdelay $0x3  }
0x37: {  	[smem:$0x3FB4] =	sst s10  }
0x38: {  	s10 =	sld [smem:$0x3FB5]  }
0x39: {  	_ = 	snop;
	(pc) =	sbr.ind lr, $3  }
0x3a: {  	_ = 	snop  }
0x3b: {  	_ = 	snop  }
0x3c: {  	p2 =	seq.s32 s10, $0x1;
	s10 =	sld [smem:$0x3FB4]  }
0x3d: {  	_ =	shalt  }
0x3e: {  	_ =	shalt  }
0x3f: {  	_ =	shalt  }
0x40: {  	_ =	shalt  }
0x41: {  	_ =	shalt  }
0x42: {  	_ =	shalt  }
0x43: {  	_ =	shalt  }
0x44: {  	_ =	shalt  }
0x45: {  	_ =	shalt  }
0x46: {  	_ =	shalt  }
0x47: {  	_ =	shalt  }
0x48: {  	_ =	shalt  }
0x49: {  	_ =	shalt  }
0x4a: {  	_ =	shalt  }
0x4b: {  	_ =	shalt  }
0x4c: {  	_ =	shalt  }
0x4d: {  	_ =	shalt  }
0x4e: {  	_ =	shalt  }
0x4f: {  	_ =	shalt  }
0x50: {  	_ =	shalt  }
0x51: {  	_ =	shalt  }
0x52: {  	_ =	shalt  }
0x53: {  	_ =	shalt  }
0x54: {  	_ =	shalt  }
0x55: {  	_ =	shalt  }
0x56: {  	_ =	shalt  }
0x57: {  	_ =	shalt  }
0x58: {  	_ =	shalt  }
0x59: {  	_ =	shalt  }
0x5a: {  	_ =	shalt  }
0x5b: {  	_ =	shalt  }
0x5c: {  	_ =	shalt  }
0x5d: {  	_ =	shalt  }
0x5e: {  	_ =	shalt  }
0x5f: {  	_ =	shalt  }
0x60: {  	_ =	shalt  }
0x61: {  	_ =	shalt  }
0x62: {  	_ =	shalt  }
0x63: {  	_ =	shalt  }
0x64: {  	_ =	shalt  }
0x65: {  	_ =	shalt  }
0x66: {  	_ =	shalt  }
0x67: {  	_ =	shalt  }
0x68: {  	_ =	shalt  }
0x69: {  	_ =	shalt  }
0x6a: {  	_ =	shalt  }
0x6b: {  	_ =	shalt  }
0x6c: {  	_ =	shalt  }
0x6d: {  	_ =	shalt  }
0x6e: {  	_ =	shalt  }
0x6f: {  	_ =	shalt  }
0x70: {  	_ =	shalt  }
0x71: {  	_ =	shalt  }
0x72: {  	_ =	shalt  }
0x73: {  	_ =	shalt  }
0x74: {  	_ =	shalt  }
0x75: {  	_ =	shalt  }
0x76: {  	_ =	shalt  }
0x77: {  	_ =	shalt  }
0x78: {  	_ =	shalt  }
0x79: {  	_ =	shalt  }
0x7a: {  	_ =	shalt  }
0x7b: {  	_ =	shalt  }
0x7c: {  	_ =	shalt  }
0x7d: {  	_ =	shalt  }
0x7e: {  	_ =	shalt  }
0x7f: {  	_ =	shalt  }
0x80: {  	_ =	shalt  }
0x81: {  	_ =	shalt  }
0x82: {  	_ =	shalt  }
0x83: {  	_ =	shalt  }
0x84: {  	_ =	shalt  }
0x85: {  	_ =	shalt  }
0x86: {  	_ =	shalt  }
0x87: {  	_ =	shalt  }
.Lfunc_end0:
.L_simem_size_0:
called_computation.2_lowered:
.L_overlay_start_0:
0x88: {  	s2 =	sld [smem:$0x3FD9]  }
0x89: {  	s3 =	sld [smem:$0x3FFE];
	_ =	sdelay $0x1  }
0x8a: {  	s1 =	srdreg.scid  }
0x8b: {  	s0 =	sand.u32 $0x1, s1  }
0x8c: {  	s17 =	sshll.u32 s0, $0xA;
	s2 =	sadd.s32 s3, s2  }
0x8d: {  	s2 =	sadd.s32 s2, s17  }
0x8e: {  	[smem:$0x3FC0] =	sst s2  }
0x8f: {  	_ = 	snop  }
0x90: {  	s2 =	sld [smem:$0x3FD0];
	(tm) =	ssettm $0x1  }
0x91: {  	s18 =	sld [smem:$0x3FFB];
	_ =	sdelay $0x3  }
0x92: {  	_ =	strace s18  }
0x93: {  	s3 =	sld [smem:$0x3FFC];
	_ =	sdelay $0x3  }
0x94: {  	_ =	strace s3  }
0x95: {  	s3 =	sld [smem:$0x3FFD];
	_ =	sdelay $0x3  }
0x96: {  	_ =	strace s3  }
0x97: {  	_ =	strace $0x8FFFFFFF  }
0x98: {  	s19 =	sld [smem:$0x3FDB];
	_ =	sdelay $0x1  }
0x99: {  	s4 =	simm.s32 $_scs_section_size  }
0x9a: {  	s5 =	simm.s32 $_size__tile_overlayer_lowered;
	s6 =	simm.s32 $_tile_overlayer_lowered  }
0x9b: {  	s22 =	simm.s32 $0x1BFF;
	s21 =	sshll.u32 s6, $0x1;
	s3 =	sadd.s32 s4, s19  }
0x9c: {  	s7 =	simm.s32 $0x0;
	s20 =	sshll.u32 s5, $0x1;
	s5 =	sadd.s32 s21, s3  }
0x9d: {  	[timem:s7], [sflag:s22] =	dma.local [hbm:s5], s20  }
0x9e: {  	_ =	swait.ge [sflag:s22], s20  }
0x9f: {  	s4 =	ssub.s32 $0x0, s20;
	[sflag:s22] =	ssyncset.done $0x0  }
0xa0: {  	[sflag:s22] =	ssyncadd.s32 s4;
	_ =	sdelay $0x1  }
0xa1: {  	s23 =	simm.s32 $0x1B8B  }
0xa2: {  	_ =	swait.ge [sflag:s23], $0x1  }
0xa3: {  	[sflag:s23] =	ssyncset.done $0x0  }
0xa4: {  	s25 =	simm.s32 $0x1B8E;
	s24 =	sld [smem:$0x3FFE];
	[sflag:s23] =	ssyncadd.s32 $0xFFFFFFFF  }
0xa5: {  	s26 =	simm.s32 $execute0_lowered;
	[smem:$0x3FD2] =	sst s25  }
0xa6: {  	s5 =	sshll.u32 s26, $0x1;
	_ =	strace $0x8000004C;
	[dreg:$0x1] =	wrdreg $0xFFFFFFFF  }
0xa7: {  	s28 =	simm.s32 $_size_execute0_lowered;
	s3 =	sadd.s32 s3, s5;
	[dreg:$0x0] =	wrdreg $0x0  }
0xa8: {  	s5 =	sshll.u32 s28, $0x1;
	[dreg:$0x2] =	wrdreg s3  }
0xa9: {  	[dreg:$0x3] =	wrdreg s5  }
0xaa: {  	[dreg:$0x4] =	wrdreg $0xC0  }
0xab: {  	_ =	task [dreg:s7], $0x5FFFF  }
0xac: {  	[dreg:$0x1] =	wrdreg $0xFFFFFFFF  }
0xad: {  	[dreg:$0x0] =	wrdreg $0x60  }
0xae: {  	[dreg:$0x2] =	wrdreg s24  }
0xaf: {  	[dreg:$0x3] =	wrdreg s2  }
0xb0: {  	[dreg:$0x4] =	wrdreg $0x90000  }
0xb1: {  	[dreg:$0x5] =	wrdreg $0x9  }
0xb2: {  	_ =	task.clear_ibuf [dreg:s7], $0x6FFFF;
	_ =	strace $0x9000004C  }
0xb3: {  	s29 =	simm.s32 $0x9;
	_ =	strace $0x8000004E  }
0xb4: {  	_ =	swait.ge [sflag:s29], $0x1  }
0xb5: {  	[sflag:s29] =	ssyncadd.s32 $0xFFFFFFFF  }
0xb6: {  	_ =	strace $0x9000004E  }
0xb7: {  	_ =	sfence  }
0xb8: {  	s30 =	sld [smem:$0x0];
	_ =	sdelay $0x2  }
0xb9: {  	s31 =	sshll.u32 s1, $0xD;
	s1 =	sshrl.u32 s1, $0x2  }
0xba: {  	s3 =	sand.u32 $0x4000, s31;
	s1 =	sadd.s32 s1, s30  }
0xbb: {  	s0 =	sor.u32 s3, s0;
	s1 =	sshll.u32 s1, $0x11  }
0xbc: {  	s0 =	sor.u32 s1, s0  }
0xbd: {  	s0 =	sadd.s32 $0x8F2B, s0  }
0xbe: {  	[sflag:s0] =	ssyncadd.remote.s32 $0x1  }
0xbf: {  	_ =	sfence.sel $0xFFFF  }
0xc0: {  	[dreg:$0x0] =	wrdreg $0xFFFFFFFF;
	(pc) =	sbr.abs _section_cstart, $3  }
0xc1: {  	[dreg:$0x1] =	wrdreg $0xFFFFFFFF  }
0xc2: {  	_ =	task.clear_ibuf [dreg:s7], $0x2FFFF;
	_ =	strace $0x9FFFFFFF  }
0xc3: {  	(tm) =	ssettm $0x7FFFFFFF  }
tec
execute0_lowered:
.L_overlay_start_1:
0x0: {  	(tag) =	ssettag $0x1  }
0x1: {  	s5 =	rddreg [dreg:$0x0]  }
0x2: {  	s0 =	srdreg.scid;
	s7 =	rddreg [dreg:$0x1]  }
0x3: {  	s2 =	rddreg [dreg:$0x2];
	s6 =	sand.u32 $0x1, s0  }
0x4: {  	s0 =	stileid.u32;
	s4 =	smul.u32 $0x28000, s6  }
0x5: {  	s1 =	rddreg [dreg:$0x3];
	s3 =	simm.s32 $0x0;
	s8 =	smul.u32 $0x2800, s0  }
0x6: {  	s16 =	simm.s32 $0x1;
	[smem:$0x7FF] =	sst s3;
	s28 =	smul.u32 $0x14000, s0  }
0x7: {  	s17 =	simm.s32 $0x0;
	_ =	strace $0x8000004D;
	s10 =	smul.u32 $0x140000, s6  }
0x8: {  	s6 =	ssub.s32 $0x2, s6;
	s29 =	smul.u32 $0x50000, s0;
	s31 =	sshll.u32 s0, $0x6  }
0x9: {  	s13 =	sshrl.u32 s6, $0x1;
	s4 =	sadd.s32 s8, s4;
	s12 =	sshrl.u32 s28, $0x3  }
0xa: {  	s8 =	sadd.s32 s28, s10;
	s13 =	ssub.s32 s6, s13;
	s30 =	sshrl.u32 s29, $0x2  }
0xb: {  	s6 =	sor.u32 $0x1C02, s31;
	s9 =	sshrl.u32 s4, $0x3;
	s4 =	sadd.s32 $0x34800, s5  }
0xc: {  	s12 =	sadd.s32 s12, s5;
	s8 =	sshrl.u32 s8, $0x3;
	s15 =	sadd.s32 s30, s2  }
0xd: {  	s10 =	smax.u32 s13, $0x1;
	s13 =	simm.s32 $0x2800;
	s11 =	sadd.s32 s9, s5  }
0xe: {  	s14 =	sadd.s32 s8, s5;
	s5 =	sadd.s32 $0xC800, s12;
	s7 =	sadd.s32 s7, s9  }
0xf: {  	s12 =	simm.s32 $0x2;
	s8 =	sadd.s32 $0x1E00, s11;
	s9 =	sadd.s32 $0x5BA00, s14  }
0x10: {  	s11 =	sshrl.u32 s15, $0x3;
	s14 =	simm.s32 $0x80;
	s15 =	simm.s32 $0x5000  }
.LBB2_1:
0x11: {  	[spmem:s11], [sflag:s6] =	dma.local [hbm:s5], $0x2800  }
0x12: {  	_ =	swait.ge [sflag:s12], $0x2800  }
0x13: {  	[sflag:s12] =	ssyncset.done $0x0  }
0x14: {  	[sflag:s12] =	ssyncadd.s32 $0xFFFFD800  }
0x15: {  	[tilespmem:s3], [sflag:$0x2] =	stream.linear.gather [hbm4b:s7+s3], $0x2780, $0x38;
	[tilespmem:$0x1D000] =	vst v63  }
0x16: {  	_ =	swait.ge [sflag:s12], $0x2780  }
0x17: {  	[sflag:s12] =	ssyncset.done $0x0  }
0x18: {  	[sflag:s12] =	ssyncadd.s32 $0xFFFFD880  }
0x19: {  	[tilespmem:s13], [sflag:$0x2] =	stream.linear.gather [hbm4b:s8+s3], $0x2780, $0x38;
	[tilespmem:$0x1D000] =	vst v63  }
0x1a: {  	_ =	swait.ge [sflag:s12], $0x2780  }
0x1b: {  	[sflag:s12] =	ssyncset.done $0x0  }
0x1c: {  	[sflag:s12] =	ssyncadd.s32 $0xFFFFD880  }
0x1d: {  	s18 =	simm.s32 $0x0;
	[bflag:$0x0] =	sbarrier.arrive $0xFFFF  }
0x1e: {  	[tilespmem:s15], [sflag:$0x1] =	stream.indirect.gather [hbm4b:s4+s14], $0x80, s18, s14, $0xb8;
	[tilespmem:$0x1D000] =	vst v63  }
0x1f: {  	_ =	swait.ge [sflag:s16], $0x4000  }
0x20: {  	[sflag:s16] =	ssyncset.done $0x0  }
0x21: {  	s31 =	simm.s32 $0x2800;
	[sflag:s16] =	ssyncadd.s32 $0xFFFFC000  }
0x22: {  	[spmem:s2] =	stream.indirect.scatter.add.f32 [tilespmem:s15], [sflag:$0x2], $0x80, s31, s14, $0xb8;
	[tilespmem:$0x1D000] =	vst v63  }
0x23: {  	_ =	swait.ge [sflag:s12], $0x4000  }
0x24: {  	s19 =	simm.s32 $0x400;
	s18 =	simm.s32 $0x200;
	[sflag:s12] =	ssyncset.done $0x0  }
.LBB2_2:
0x25: {  	s20 =	sshra.s32 s18, $0x2  }
0x26: {  	[sflag:s12] =	ssyncadd.s32 $0xFFFFC000;
	s18 =	smov.u32 s19;
	s21 =	sadd.s32 $0x200, s19  }
0x27: {  	[tilespmem:s15], [sflag:$0x1] =	stream.indirect.gather [hbm4b:s4+s14], $0x80, s20, s14, $0xb8;
	[tilespmem:$0x1D000] =	vst v63  }
0x28: {  	p0 =	sne.s32 s19, $0x9C00;
	_ =	swait.ge [sflag:s16], $0x4000  }
.Ltmp0:
0x29: {  	[sflag:s16] =	ssyncset.done $0x0;
	(pc) =	sbr.rel @p0 .LBB2_2-.Ltmp0, $4  }
0x2a: {  	s19 =	sadd.s32 $0x2800, s20;
	[sflag:s16] =	ssyncadd.s32 $0xFFFFC000  }
0x2b: {  	[spmem:s2] =	stream.indirect.scatter.add.f32 [tilespmem:s15], [sflag:$0x2], $0x80, s19, s14, $0xb8;
	[tilespmem:$0x1D000] =	vst v63  }
0x2c: {  	_ =	swait.ge [sflag:s12], $0x4000  }
0x2d: {  	s19 =	smov.u32 s21;
	[sflag:s12] =	ssyncset.done $0x0  }
0x2e: {  	s18 =	sshra.s32 s18, $0x2;
	[sflag:s12] =	ssyncadd.s32 $0xFFFFC000  }
0x2f: {  	[tilespmem:s15], [sflag:$0x1] =	stream.indirect.gather [hbm4b:s4+s14], $0x80, s18, s14, $0xb8;
	[tilespmem:$0x1D000] =	vst v63  }
0x30: {  	_ =	swait.ge [sflag:s16], $0x4000  }
0x31: {  	[sflag:s16] =	ssyncset.done $0x0  }
0x32: {  	s18 =	sadd.s32 $0x2800, s18;
	[sflag:s16] =	ssyncadd.s32 $0xFFFFC000  }
0x33: {  	[spmem:s2] =	stream.indirect.scatter.add.f32 [tilespmem:s15], [sflag:$0x2], $0x80, s18, s14, $0xb8;
	[tilespmem:$0x1D000] =	vst v63  }
0x34: {  	_ =	swait.ge [sflag:s12], $0x4000  }
0x35: {  	s17 =	sadd.s32 $0x1, s17;
	[sflag:s12] =	ssyncset.done $0x0  }
0x36: {  	p0 =	sne.s32 s17, s10;
	[sflag:s12] =	ssyncadd.s32 $0xFFFFC000  }
.Ltmp1:
0x37: {  	[bflag:$0x0] =	sbarrier.arrive $0xFFFF;
	(pc) =	sbr.rel @p0 .LBB2_1-.Ltmp1, $4  }
0x38: {  	[hbm:s9], [sflag:s6] =	dma.local [spmem:s11], $0x2800  }
0x39: {  	_ =	swait.ge [sflag:s12], $0x2800  }
0x3a: {  	[sflag:s12] =	ssyncset.done $0x0  }
0x3b: {  	[sflag:s12] =	ssyncadd.s32 $0xFFFFD800  }
0x3c: {  	_ =	sfence.sel $0x180000  }
0x3d: {  	[bflag:$0x0] =	sbarrier.arrive $0xFFFF  }
0x3e: {  	p0 =	sne.s32 s0, $0x0;
	_ =	strace $0x9000004D  }
0x3f: {  	s0 =	sadd.s32 @!p0 $0x100000, s1;
	[bflag:$0x2] =	sbarrier.arrive $0xFFFF  }
0x40: {  	[sflag:s0] =	ssyncadd.tile.s32 @!p0 $0x1;
	_ =	shalt  }
.Lfunc_end2:
_tile_overlayer_lowered:
.L_overlay_start_2:
0x41: {  	(tag) =	ssettag $0x2  }
0x42: {  	s0 =	rddreg [dreg:$0x0];
	s2 =	stileid.u32  }
0x43: {  	s1 =	rddreg [dreg:$0x1];
	p0 =	sne.s32 s2, $0x0  }
0x44: {  	s3 =	rddreg [dreg:$0x2];
	[bflag:$0x3] =	sbarrier.arrive $0xFFFF;
	s2 =	simm.s32 @!p0 $0x1C02  }
0x45: {  	[timem:s3], [sflag:s2] =	dma.local @!p0 [hbm:s0], s1  }
0x46: {  	s0 =	simm.s32 @!p0 $0x2  }
0x47: {  	_ =	swait.ge @!p0 [sflag:s0], s1  }
0x48: {  	s1 =	ssub.s32 @!p0 $0x0, s1;
	[sflag:s0] =	ssyncset.done @!p0 $0x0  }
0x49: {  	[sflag:s0] =	ssyncadd.s32 @!p0 s1  }
0x4a: {  	[bflag:$0x3] =	sbarrier.arrive $0xFFFF  }
0x4b: {  	_ =	shalt  }

// kernel: kernel.7.cloned.1.call-start
scs
__scs_entry_jumppad:
0x0: {  	(pc) =	sbr.rel $0x88, $3  }
0x1: {  	(tag) =	ssettag $0x0;
	lr =	simm.s32 $0x1  }
0x2: {  	[smem:$0x3F99] =	sst lr;
	_ =	strace $0xD0000000  }
0x3: {  	_ = 	snop  }
0x4: {  	_ = 	snop  }
0x5: {  	_ = 	snop  }
0x6: {  	_ = 	snop  }
0x7: {  	_ = 	snop  }
__scs_overlays_trampoline_lowered:
0x8: {  	[smem:$0x3FA8] =	sst s0  }
0x9: {  	[smem:$0x3FA9] =	sst s1  }
0xa: {  	[smem:$0x3FAA] =	sst s2  }
0xb: {  	[smem:$0x3FAB] =	sst s3  }
0xc: {  	[smem:$0x3FAC] =	sst s4  }
0xd: {  	[smem:$0x3FAD] =	sst s5  }
0xe: {  	[smem:$0x3FAE] =	sst s6  }
0xf: {  	[smem:$0x3FAF] =	sst s7  }
0x10: {  	[smem:$0x3FB0] =	sst s8  }
0x11: {  	[smem:$0x3FB1] =	sst s9;
	s0 =	simm.s32 @!p0 $0x0  }
0x12: {  	s1 =	sld [smem:$0x3F97];
	s0 =	simm.s32 @p0 $0x1  }
0x13: {  	[smem:$0x3FB2] =	sst s0;
	s0 =	simm.s32 @!p1 $0x0  }
0x14: {  	s2 =	sld [smem:$0x3F96];
	s0 =	simm.s32 @p1 $0x1  }
0x15: {  	[smem:$0x3FB3] =	sst s0;
	s0 =	simm.s32 @!p2 $0x0  }
0x16: {  	s3 =	sld [smem:$0x3FDB];
	s0 =	simm.s32 @p2 $0x1  }
0x17: {  	s4 =	simm.s32 $0x1BF5;
	[smem:$0x3FB5] =	sst s0  }
0x18: {  	s0 =	sld [smem:$0x3F98];
	_ =	swait.ge [sflag:s4], $0x0  }
0x19: {  	s7 =	sld [smem:$0x3F99]  }
0x1a: {  	s8 =	sadd.s32 $0xFFFFE003, lr  }
0x1b: {  	s9 =	sadd.s32 $0xFFFFFEF7, lr;
	s5 =	simm.s32 $0xFFFFFFFF;
	p2 =	slt.u32 s8, $0xFFFFF086  }
0x1c: {  	p1 =	slt.u32 s9, $0xF7A;
	s5 =	simm.s32 @!p2 $0x0  }
0x1d: {  	s5 =	simm.s32 @p1 $0x1;
	p0 =	seq.s32 s7, s2  }
0x1e: {  	s7 =	smul.u32 @!p0 $0xF7A, s2;
	p2 =	seq.s32 @!p0 s5, $0x0  }
0x1f: {  	s9 =	smul.u32 $0xF7A, s1;
	s8 =	simm.s32 @!p0 $0x1BF5;
	p2 =	por !p2, p0  }
0x20: {  	[sflag:s8] =	ssyncset.s32 @!p0 $0xFFFFF086;
	s6 =	sadd.s32 @!p0 s3, s7;
	s7 =	simm.s32 @!p0 $0x108  }
0x21: {  	s3 =	sadd.s32 s3, s9;
	s6 =	sadd.s32 @!p0 $0x88, s6;
	s7 =	simm.s32 @p2 $0x1082  }
0x22: {  	[simem:s7], [sflag:s8] =	dma.local @!p0 [hbm:s6], $0xF7A  }
0x23: {  	s9 =	sor.u32 $0xD0000000, s2;
	s6 =	simm.s32 $0x108;
	_ =	swait.ge @!p0 [sflag:s8], $0x0  }
0x24: {  	s3 =	sadd.s32 $0x88, s3;
	s6 =	simm.s32 @!p1 $0x1082;
	[sflag:s4] =	ssyncset.s32 $0xFFFFF086  }
0x25: {  	[simem:s6], [sflag:s4] =	dma.local [hbm:s3], $0xF7A  }
0x26: {  	[smem:$0x3F99] =	sst s1;
	(tag) =	ssettag s2;
	_ =	strace s9  }
0x27: {  	s1 =	sld [smem:$0x3FA9]  }
0x28: {  	s2 =	sld [smem:$0x3FAA]  }
0x29: {  	s4 =	sld [smem:$0x3FAC]  }
0x2a: {  	p0 =	seq.s32 s5, $0x0;
	s5 =	sld [smem:$0x3FAD]  }
0x2b: {  	s6 =	sld [smem:$0x3FAE]  }
0x2c: {  	s7 =	sld [smem:$0x3FAF]  }
0x2d: {  	s3 =	simm.s32 $0x108;
	s8 =	sld [smem:$0x3FB0]  }
0x2e: {  	s3 =	simm.s32 @!p0 $0x1082;
	s9 =	sld [smem:$0x3FB1]  }
0x2f: {  	lr =	sadd.s32 s0, s3;
	s0 =	sld [smem:$0x3FA8]  }
0x30: {  	s3 =	sld [smem:$0x3FAB]  }
0x31: {  	[smem:$0x3FB4] =	sst s10  }
0x32: {  	s10 =	sld [smem:$0x3FB2];
	_ =	sdelay $0x3  }
0x33: {  	p0 =	seq.s32 s10, $0x1;
	s10 =	sld [smem:$0x3FB4];
	_ =	sdelay $0x3  }
0x34: {  	[smem:$0x3FB4] =	sst s10  }
0x35: {  	s10 =	sld [smem:$0x3FB3];
	_ =	sdelay $0x3  }
0x36: {  	p1 =	seq.s32 s10, $0x1;
	s10 =	sld [smem:$0x3FB4];
	_ =	sdelay $0x3  }
0x37: {  	[smem:$0x3FB4] =	sst s10  }
0x38: {  	s10 =	sld [smem:$0x3FB5]  }
0x39: {  	_ = 	snop;
	(pc) =	sbr.ind lr, $3  }
0x3a: {  	_ = 	snop  }
0x3b: {  	_ = 	snop  }
0x3c: {  	p2 =	seq.s32 s10, $0x1;
	s10 =	sld [smem:$0x3FB4]  }
0x3d: {  	_ =	shalt  }
0x3e: {  	_ =	shalt  }
0x3f: {  	_ =	shalt  }
0x40: {  	_ =	shalt  }
0x41: {  	_ =	shalt  }
0x42: {  	_ =	shalt  }
0x43: {  	_ =	shalt  }
0x44: {  	_ =	shalt  }
0x45: {  	_ =	shalt  }
0x46: {  	_ =	shalt  }
0x47: {  	_ =	shalt  }
0x48: {  	_ =	shalt  }
0x49: {  	_ =	shalt  }
0x4a: {  	_ =	shalt  }
0x4b: {  	_ =	shalt  }
0x4c: {  	_ =	shalt  }
0x4d: {  	_ =	shalt  }
0x4e: {  	_ =	shalt  }
0x4f: {  	_ =	shalt  }
0x50: {  	_ =	shalt  }
0x51: {  	_ =	shalt  }
0x52: {  	_ =	shalt  }
0x53: {  	_ =	shalt  }
0x54: {  	_ =	shalt  }
0x55: {  	_ =	shalt  }
0x56: {  	_ =	shalt  }
0x57: {  	_ =	shalt  }
0x58: {  	_ =	shalt  }
0x59: {  	_ =	shalt  }
0x5a: {  	_ =	shalt  }
0x5b: {  	_ =	shalt  }
0x5c: {  	_ =	shalt  }
0x5d: {  	_ =	shalt  }
0x5e: {  	_ =	shalt  }
0x5f: {  	_ =	shalt  }
0x60: {  	_ =	shalt  }
0x61: {  	_ =	shalt  }
0x62: {  	_ =	shalt  }
0x63: {  	_ =	shalt  }
0x64: {  	_ =	shalt  }
0x65: {  	_ =	shalt  }
0x66: {  	_ =	shalt  }
0x67: {  	_ =	shalt  }
0x68: {  	_ =	shalt  }
0x69: {  	_ =	shalt  }
0x6a: {  	_ =	shalt  }
0x6b: {  	_ =	shalt  }
0x6c: {  	_ =	shalt  }
0x6d: {  	_ =	shalt  }
0x6e: {  	_ =	shalt  }
0x6f: {  	_ =	shalt  }
0x70: {  	_ =	shalt  }
0x71: {  	_ =	shalt  }
0x72: {  	_ =	shalt  }
0x73: {  	_ =	shalt  }
0x74: {  	_ =	shalt  }
0x75: {  	_ =	shalt  }
0x76: {  	_ =	shalt  }
0x77: {  	_ =	shalt  }
0x78: {  	_ =	shalt  }
0x79: {  	_ =	shalt  }
0x7a: {  	_ =	shalt  }
0x7b: {  	_ =	shalt  }
0x7c: {  	_ =	shalt  }
0x7d: {  	_ =	shalt  }
0x7e: {  	_ =	shalt  }
0x7f: {  	_ =	shalt  }
0x80: {  	_ =	shalt  }
0x81: {  	_ =	shalt  }
0x82: {  	_ =	shalt  }
0x83: {  	_ =	shalt  }
0x84: {  	_ =	shalt  }
0x85: {  	_ =	shalt  }
0x86: {  	_ =	shalt  }
0x87: {  	_ =	shalt  }
.Lfunc_end0:
.L_simem_size_0:
called_computation_lowered:
.L_overlay_start_0:
0x88: {  	s2 =	sld [smem:$0x3FD9]  }
0x89: {  	s3 =	sld [smem:$0x3FFE];
	_ =	sdelay $0x1  }
0x8a: {  	s1 =	srdreg.scid  }
0x8b: {  	s0 =	sand.u32 $0x1, s1  }
0x8c: {  	s16 =	sshll.u32 s0, $0xA;
	s2 =	sadd.s32 s3, s2  }
0x8d: {  	s2 =	sadd.s32 s2, s16  }
0x8e: {  	[smem:$0x3FC0] =	sst s2  }
0x8f: {  	_ = 	snop  }
0x90: {  	(tm) =	ssettm $0x1  }
0x91: {  	s17 =	sld [smem:$0x3FFB];
	_ =	sdelay $0x3  }
0x92: {  	_ =	strace s17  }
0x93: {  	s2 =	sld [smem:$0x3FFC];
	_ =	sdelay $0x3  }
0x94: {  	_ =	strace s2  }
0x95: {  	s2 =	sld [smem:$0x3FFD];
	_ =	sdelay $0x3  }
0x96: {  	_ =	strace s2  }
0x97: {  	_ =	strace $0x8FFFFFFF  }
0x98: {  	s18 =	sld [smem:$0x3FDB];
	_ =	sdelay $0x1  }
0x99: {  	s19 =	simm.s32 $_scs_section_size  }
0x9a: {  	s4 =	simm.s32 $_size__tile_overlayer_lowered;
	s5 =	simm.s32 $_tile_overlayer_lowered  }
0x9b: {  	s22 =	simm.s32 $0x1BFF;
	s21 =	sshll.u32 s5, $0x1;
	s2 =	sadd.s32 s19, s18  }
0x9c: {  	s6 =	simm.s32 $0x0;
	s20 =	sshll.u32 s4, $0x1;
	s4 =	sadd.s32 s21, s2  }
0x9d: {  	[timem:s6], [sflag:s22] =	dma.local [hbm:s4], s20  }
0x9e: {  	_ =	swait.ge [sflag:s22], s20  }
0x9f: {  	s3 =	ssub.s32 $0x0, s20;
	[sflag:s22] =	ssyncset.done $0x0  }
0xa0: {  	[sflag:s22] =	ssyncadd.s32 s3;
	_ =	sdelay $0x1  }
0xa1: {  	s23 =	simm.s32 $0x1B8B  }
0xa2: {  	_ =	swait.ge [sflag:s23], $0x1  }
0xa3: {  	[sflag:s23] =	ssyncset.done $0x0  }
0xa4: {  	s25 =	simm.s32 $0x1B8E;
	s24 =	sld [smem:$0x3FFE];
	[sflag:s23] =	ssyncadd.s32 $0xFFFFFFFF  }
0xa5: {  	s26 =	simm.s32 $execute0_lowered;
	[smem:$0x3FD2] =	sst s25  }
0xa6: {  	s4 =	sshll.u32 s26, $0x1;
	_ =	strace $0x80000046;
	[dreg:$0x1] =	wrdreg $0xFFFFFFFF  }
0xa7: {  	s28 =	simm.s32 $_size_execute0_lowered;
	s2 =	sadd.s32 s2, s4;
	[dreg:$0x0] =	wrdreg $0x0  }
0xa8: {  	s4 =	sshll.u32 s28, $0x1;
	[dreg:$0x2] =	wrdreg s2  }
0xa9: {  	[dreg:$0x3] =	wrdreg s4  }
0xaa: {  	[dreg:$0x4] =	wrdreg $0xC0  }
0xab: {  	_ =	task [dreg:s6], $0x5FFFF  }
0xac: {  	[dreg:$0x1] =	wrdreg $0xFFFFFFFF  }
0xad: {  	[dreg:$0x0] =	wrdreg $0x60  }
0xae: {  	[dreg:$0x2] =	wrdreg s24  }
0xaf: {  	[dreg:$0x3] =	wrdreg $0x7A800  }
0xb0: {  	[dreg:$0x4] =	wrdreg $0x9  }
0xb1: {  	_ =	task.clear_ibuf [dreg:s6], $0x5FFFF;
	_ =	strace $0x90000046  }
0xb2: {  	s29 =	simm.s32 $0x9;
	_ =	strace $0x80000048  }
0xb3: {  	_ =	swait.ge [sflag:s29], $0x1  }
0xb4: {  	[sflag:s29] =	ssyncadd.s32 $0xFFFFFFFF  }
0xb5: {  	_ =	strace $0x90000048  }
0xb6: {  	_ =	sfence  }
0xb7: {  	s30 =	sld [smem:$0x0];
	_ =	sdelay $0x2  }
0xb8: {  	s31 =	sshll.u32 s1, $0xD;
	s1 =	sshrl.u32 s1, $0x2  }
0xb9: {  	s3 =	sand.u32 $0x4000, s31;
	s1 =	sadd.s32 s1, s30  }
0xba: {  	s0 =	sor.u32 s3, s0;
	s1 =	sshll.u32 s1, $0x11  }
0xbb: {  	s0 =	sor.u32 s1, s0  }
0xbc: {  	s0 =	sadd.s32 $0x8F2B, s0  }
0xbd: {  	[sflag:s0] =	ssyncadd.remote.s32 $0x1  }
0xbe: {  	_ =	sfence.sel $0xFFFF  }
0xbf: {  	[dreg:$0x0] =	wrdreg $0xFFFFFFFF;
	(pc) =	sbr.abs _section_cstart, $3  }
0xc0: {  	[dreg:$0x1] =	wrdreg $0xFFFFFFFF  }
0xc1: {  	_ =	task.clear_ibuf [dreg:s6], $0x2FFFF;
	_ =	strace $0x9FFFFFFF  }
0xc2: {  	(tm) =	ssettm $0x7FFFFFFF  }
0xc3: {  	_ =	shalt  }
tec
execute0_lowered:
.L_overlay_start_1:
0x0: {  	(tag) =	ssettag $0x1  }
0x1: {  	s0 =	srdreg.scid;
	s7 =	stileid.u32  }
0x2: {  	s1 =	rddreg [dreg:$0x0];
	s4 =	smul.u32 $0x2800, s7  }
0x3: {  	s3 =	rddreg [dreg:$0x1];
	s5 =	simm.s32 $0x0;
	s11 =	smul.u32 $0x500, s7  }
0x4: {  	s0 =	sand.u32 $0x1, s0;
	[smem:$0x7FF] =	sst s5;
	s6 =	smul.u32 $0x5000, s7  }
0x5: {  	s13 =	sshrl.u32 s7, $0x3;
	s15 =	sshll.u32 s7, $0x7;
	s2 =	smul.u32 $0x28000, s0  }
0x6: {  	s12 =	sshll.u32 s0, $0x7;
	s0 =	ssub.s32 $0x2, s0;
	s5 =	smul.u32 $0x50000, s13  }
0x7: {  	_ =	strace $0x80000047;
	s14 =	sshrl.u32 s0, $0x1;
	s2 =	sadd.s32 s4, s2  }
0x8: {  	s4 =	sor.u32 s12, s11;
	s0 =	ssub.s32 s0, s14;
	s5 =	sshrl.u32 s5, $0x2  }
0x9: {  	s2 =	sshrl.u32 s2, $0x3;
	s4 =	sshrl.u32 s4, $0x3;
	s5 =	sadd.s32 s5, s3  }
0xa: {  	s0 =	smax.u32 s0, $0x1;
	s2 =	sadd.s32 s2, s1;
	s1 =	sadd.s32 s4, s1  }
0xb: {  	s4 =	sand.u32 $0x380, s15;
	[dreg:$0x15] =	wrdreg s0;
	s2 =	sadd.s32 $0x1E00, s2  }
0xc: {  	s6 =	sshrl.u32 s6, $0x2;
	s16 =	sadd.s32 s4, s5;
	[dreg:$0x3] =	wrdreg s2  }
0xd: {  	s5 =	sadd.s32 s6, s3;
	s1 =	sadd.s32 $0xBE00, s1;
	[dreg:$0x4] =	wrdreg s16  }
0xe: {  	s17 =	sadd.s32 $0x80, s5;
	[dreg:$0x14] =	wrdreg s1  }
0xf: {  	s18 =	sadd.s32 $0x100, s5;
	[dreg:$0x5] =	wrdreg s17  }
0x10: {  	s19 =	sadd.s32 $0x180, s5;
	[dreg:$0x6] =	wrdreg s18  }
0x11: {  	s20 =	sadd.s32 $0x200, s5;
	[dreg:$0x7] =	wrdreg s19  }
0x12: {  	s21 =	sadd.s32 $0x280, s5;
	[dreg:$0x8] =	wrdreg s20  }
0x13: {  	s22 =	sadd.s32 $0x300, s5;
	[dreg:$0x9] =	wrdreg s21  }
0x14: {  	s23 =	sadd.s32 $0x380, s5;
	[dreg:$0xa] =	wrdreg s22  }
0x15: {  	s24 =	sadd.s32 $0x14000, s5;
	[dreg:$0xb] =	wrdreg s23  }
0x16: {  	s25 =	sadd.s32 $0x14080, s5;
	[dreg:$0xc] =	wrdreg s24  }
0x17: {  	s26 =	sadd.s32 $0x14100, s5;
	[dreg:$0xd] =	wrdreg s25  }
0x18: {  	s3 =	sadd.s32 $0x14180, s5;
	[dreg:$0xe] =	wrdreg s26  }
0x19: {  	s4 =	sadd.s32 $0x14200, s5;
	[dreg:$0xf] =	wrdreg s3  }
0x1a: {  	s6 =	sadd.s32 $0x14280, s5;
	[dreg:$0x10] =	wrdreg s4  }
0x1b: {  	s7 =	sadd.s32 $0x14300, s5;
	[dreg:$0x11] =	wrdreg s6  }
0x1c: {  	s8 =	sadd.s32 $0x14380, s5;
	[dreg:$0x12] =	wrdreg s7  }
0x1d: {  	s9 =	sadd.s32 $0x400, s5;
	[dreg:$0x13] =	wrdreg s8  }
0x1e: {  	s10 =	sadd.s32 $0x800, s5;
	[dreg:$0x16] =	wrdreg s9  }
0x1f: {  	s11 =	sadd.s32 $0xC00, s5;
	[dreg:$0x17] =	wrdreg s10  }
0x20: {  	s12 =	sadd.s32 $0x1000, s5;
	[dreg:$0x18] =	wrdreg s11  }
0x21: {  	s13 =	sadd.s32 $0x480, s5;
	[dreg:$0x19] =	wrdreg s12  }
0x22: {  	s14 =	sadd.s32 $0x880, s5;
	[dreg:$0x1a] =	wrdreg s13  }
0x23: {  	s15 =	sadd.s32 $0xC80, s5;
	[dreg:$0x1b] =	wrdreg s14  }
0x24: {  	s16 =	sadd.s32 $0x1080, s5;
	[dreg:$0x1c] =	wrdreg s15  }
0x25: {  	s1 =	sadd.s32 $0xE00, s5;
	[dreg:$0x1d] =	wrdreg s16  }
0x26: {  	s2 =	sadd.s32 $0x1200, s5;
	[smem:$0x7E5] =	sst s1  }
0x27: {  	s17 =	sadd.s32 $0x500, s5;
	[smem:$0x7E6] =	sst s2  }
0x28: {  	s18 =	sadd.s32 $0x900, s5;
	[dreg:$0x1e] =	wrdreg s17  }
0x29: {  	s19 =	sadd.s32 $0xD00, s5;
	[dreg:$0x1f] =	wrdreg s18  }
0x2a: {  	s20 =	sadd.s32 $0x1100, s5;
	[smem:$0x7DD] =	sst s19  }
0x2b: {  	s21 =	sadd.s32 $0x580, s5;
	[smem:$0x7DE] =	sst s20  }
0x2c: {  	s22 =	sadd.s32 $0x980, s5;
	[smem:$0x7DF] =	sst s21  }
0x2d: {  	s23 =	sadd.s32 $0xD80, s5;
	[smem:$0x7E0] =	sst s22  }
0x2e: {  	s24 =	sadd.s32 $0x1180, s5;
	[smem:$0x7E1] =	sst s23  }
0x2f: {  	s25 =	sadd.s32 $0x600, s5;
	[smem:$0x7E2] =	sst s24  }
0x30: {  	s26 =	sadd.s32 $0xA00, s5;
	[smem:$0x7E3] =	sst s25  }
0x31: {  	s3 =	sadd.s32 $0x680, s5;
	[smem:$0x7E4] =	sst s26  }
0x32: {  	s4 =	sadd.s32 $0xA80, s5;
	[smem:$0x7E7] =	sst s3  }
0x33: {  	s6 =	sadd.s32 $0xE80, s5;
	[smem:$0x7E8] =	sst s4  }
0x34: {  	s7 =	sadd.s32 $0x1280, s5;
	[smem:$0x7E9] =	sst s6  }
0x35: {  	s8 =	sadd.s32 $0x700, s5;
	[smem:$0x7EA] =	sst s7  }
0x36: {  	s9 =	sadd.s32 $0xB00, s5;
	[smem:$0x7EB] =	sst s8  }
0x37: {  	s10 =	sadd.s32 $0xF00, s5;
	[smem:$0x7EC] =	sst s9  }
0x38: {  	s11 =	sadd.s32 $0x1300, s5;
	[smem:$0x7ED] =	sst s10  }
0x39: {  	s12 =	sadd.s32 $0x780, s5;
	[smem:$0x7EE] =	sst s11  }
0x3a: {  	s28 =	simm.s32 $0x1;
	s13 =	sadd.s32 $0xB80, s5;
	[smem:$0x7EF] =	sst s12  }
0x3b: {  	s29 =	simm.s32 $0x2800;
	s14 =	sadd.s32 $0xF80, s5;
	[smem:$0x7F0] =	sst s13  }
0x3c: {  	s30 =	simm.s32 $0x80;
	s15 =	sadd.s32 $0x1380, s5;
	[smem:$0x7F1] =	sst s14  }
0x3d: {  	s31 =	simm.s32 $0x0;
	s16 =	sadd.s32 $0x14400, s5;
	[smem:$0x7F2] =	sst s15  }
0x3e: {  	[smem:$0x7F3] =	sst s16;
	s17 =	sadd.s32 $0x14800, s5;
	s18 =	sadd.s32 $0x14C00, s5  }
0x3f: {  	s19 =	sadd.s32 $0x15000, s5;
	s20 =	sadd.s32 $0x14480, s5;
	[smem:$0x7F4] =	sst s17  }
0x40: {  	s21 =	sadd.s32 $0x14880, s5;
	s22 =	sadd.s32 $0x14C80, s5;
	[smem:$0x7F5] =	sst s18  }
0x41: {  	s23 =	sadd.s32 $0x15080, s5;
	s24 =	sadd.s32 $0x14500, s5;
	[smem:$0x7F6] =	sst s19  }
0x42: {  	s25 =	sadd.s32 $0x14900, s5;
	s26 =	sadd.s32 $0x14D00, s5;
	[smem:$0x7F7] =	sst s20  }
0x43: {  	s6 =	sadd.s32 $0x15100, s5;
	s7 =	sadd.s32 $0x14580, s5;
	[smem:$0x7F8] =	sst s21  }
0x44: {  	s8 =	sadd.s32 $0x14980, s5;
	s9 =	sadd.s32 $0x14D80, s5;
	[smem:$0x7F9] =	sst s22  }
0x45: {  	s10 =	sadd.s32 $0x15180, s5;
	s11 =	sadd.s32 $0x14600, s5;
	[smem:$0x7FA] =	sst s23  }
0x46: {  	s12 =	sadd.s32 $0x14A00, s5;
	s13 =	sadd.s32 $0x14E00, s5;
	[smem:$0x7FB] =	sst s24  }
0x47: {  	s14 =	sadd.s32 $0x15200, s5;
	s15 =	sadd.s32 $0x14680, s5;
	[smem:$0x7FC] =	sst s25  }
0x48: {  	s16 =	sadd.s32 $0x14A80, s5;
	[smem:$0x7FD] =	sst s26;
	s17 =	sadd.s32 $0x14E80, s5  }
0x49: {  	s18 =	sadd.s32 $0x15280, s5;
	s19 =	sadd.s32 $0x14700, s5;
	s20 =	sadd.s32 $0x14B00, s5  }
0x4a: {  	s21 =	sadd.s32 $0x14F00, s5;
	s22 =	sadd.s32 $0x15300, s5;
	s23 =	sadd.s32 $0x14780, s5  }
0x4b: {  	v0 =	vimm.f32 $0.0e+00;
	v1 =	vimm.f32 $1.000000000e+00;
	s24 =	sadd.s32 $0x14B80, s5;
	s25 =	sadd.s32 $0x14F80, s5;
	s26 =	sadd.s32 $0x15380, s5  }
.LBB2_1:
0x4c: {  	s0 =	simm.s32 $0x0;
	s1 =	rddreg [dreg:$0x3]  }
0x4d: {  	[tilespmem:s0], [sflag:$0x1] =	stream.linear.gather [hbm4b:s1+s0], $0x2780, $0x38;
	[tilespmem:$0xA280] =	vst v63  }
0x4e: {  	_ =	swait.ge [sflag:s28], $0x2780  }
0x4f: {  	[sflag:s28] =	ssyncset.done $0x0  }
0x50: {  	s0 =	simm.s32 $0x0;
	[sflag:s28] =	ssyncadd.s32 $0xFFFFD880  }
.LBB2_2:
0x51: {  	p0 =	sne.s32 s0, $0x9FC0  }
.Ltmp0:
0x52: {  	_ = 	snop;
	(pc) =	sbr.rel @p0 .LBB2_2-.Ltmp0, $3  }
0x53: {  	_ =	sdelay $0x1  }
0x54: {  	s1 =	sshra.s32 s0, $0x2  }
0x55: {  	s0 =	sadd.s32 $0x40, s0;
	[tilespmem:s1+$0x2800] =	vst v0  }
0x56: {  	s0 =	simm.s32 $0x0  }
.LBB2_4:
0x57: {  	s1 =	sshra.s32 s0, $0x2  }
0x58: {  	v2 =	vld [tilespmem:s1+$0x0];
	_ =	sdelay $0x7  }
0x59: {  	[tilespmem:v2+s29+$0x0] =	vst.idx.add.f32.msk $0xffff, v1  }
0x5a: {  	v2 =	vld [tilespmem:s1+$0x10];
	_ =	sdelay $0x7  }
0x5b: {  	[tilespmem:v2+s29+$0x0] =	vst.idx.add.f32.msk $0xffff, v1  }
0x5c: {  	v2 =	vld [tilespmem:s1+$0x20];
	_ =	sdelay $0x7  }
0x5d: {  	[tilespmem:v2+s29+$0x0] =	vst.idx.add.f32.msk $0xffff, v1  }
0x5e: {  	v2 =	vld [tilespmem:s1+$0x30];
	_ =	sdelay $0x7  }
0x5f: {  	[tilespmem:v2+s29+$0x0] =	vst.idx.add.f32.msk $0xffff, v1  }
0x60: {  	v2 =	vld [tilespmem:s1+$0x40];
	_ =	sdelay $0x7  }
0x61: {  	[tilespmem:v2+s29+$0x0] =	vst.idx.add.f32.msk $0xffff, v1  }
0x62: {  	v2 =	vld [tilespmem:s1+$0x50];
	_ =	sdelay $0x7  }
0x63: {  	[tilespmem:v2+s29+$0x0] =	vst.idx.add.f32.msk $0xffff, v1  }
0x64: {  	v2 =	vld [tilespmem:s1+$0x60];
	_ =	sdelay $0x7  }
0x65: {  	[tilespmem:v2+s29+$0x0] =	vst.idx.add.f32.msk $0xffff, v1  }
0x66: {  	v2 =	vld [tilespmem:s1+$0x70];
	_ =	sdelay $0x2  }
0x67: {  	p0 =	sne.s32 s0, $0x9C00  }
.Ltmp1:
0x68: {  	_ = 	snop;
	(pc) =	sbr.rel @p0 .LBB2_4-.Ltmp1, $2  }
0x69: {  	_ =	sdelay $0x2  }
0x6a: {  	s0 =	sadd.s32 $0x200, s0;
	[tilespmem:v2+s29+$0x0] =	vst.idx.add.f32.msk $0xffff, v1  }
0x6b: {  	s0 =	rddreg [dreg:$0x4];
	s1 =	simm.s32 $0x400  }
0x6c: {  	[spmem:s0] =	stream.strided.scatter [tilespmem:s29], [sflag:$0x1], $0x2800, s1, s30, $0x38;
	[tilespmem:$0xA280] =	vst v63  }
0x6d: {  	_ =	swait.ge [sflag:s28], $0x2800  }
0x6e: {  	[sflag:s28] =	ssyncset.done $0x0  }
0x6f: {  	[sflag:s28] =	ssyncadd.s32 $0xFFFFD800  }
0x70: {  	s2 =	simm.s32 $0x5000;
	[bflag:$0x0] =	sbarrier.arrive $0xFFFF  }
0x71: {  	[tilespmem:s2], [sflag:$0x1] =	stream.linear.gather [spmem:s5], $0x80, $0x38;
	[tilespmem:$0xA280] =	vst v63  }
0x72: {  	s4 =	simm.s32 $0x5400;
	s3 =	rddreg [dreg:$0x16]  }
0x73: {  	[tilespmem:s4], [sflag:$0x1] =	stream.linear.gather [spmem:s3], $0x80, $0x38;
	[tilespmem:$0xA280] =	vst v63  }
0x74: {  	s1 =	rddreg [dreg:$0x17];
	s2 =	simm.s32 $0x5800  }
0x75: {  	[tilespmem:s2], [sflag:$0x1] =	stream.linear.gather [spmem:s1], $0x80, $0x38;
	[tilespmem:$0xA280] =	vst v63  }
0x76: {  	s3 =	rddreg [dreg:$0x18];
	s4 =	simm.s32 $0x5C00  }
0x77: {  	[tilespmem:s4], [sflag:$0x1] =	stream.linear.gather [spmem:s3], $0x80, $0x38;
	[tilespmem:$0xA280] =	vst v63  }
0x78: {  	s1 =	rddreg [dreg:$0x19];
	s2 =	simm.s32 $0x6000  }
0x79: {  	[tilespmem:s2], [sflag:$0x1] =	stream.linear.gather [spmem:s1], $0x80, $0x38;
	[tilespmem:$0xA280] =	vst v63  }
0x7a: {  	_ =	swait.ge [sflag:s28], $0x280  }
0x7b: {  	[sflag:s28] =	ssyncset.done $0x0  }
0x7c: {  	s4 =	simm.s32 $0x5080;
	s3 =	rddreg [dreg:$0x5];
	[sflag:s28] =	ssyncadd.s32 $0xFFFFFD80  }
0x7d: {  	[tilespmem:s4], [sflag:$0x1] =	stream.linear.gather [spmem:s3], $0x80, $0x38;
	[tilespmem:$0xA280] =	vst v63  }
0x7e: {  	s2 =	simm.s32 $0x5480;
	s1 =	rddreg [dreg:$0x1a]  }
0x7f: {  	[tilespmem:s2], [sflag:$0x1] =	stream.linear.gather [spmem:s1], $0x80, $0x38;
	[tilespmem:$0xA280] =	vst v63  }
0x80: {  	s3 =	rddreg [dreg:$0x1b];
	s4 =	simm.s32 $0x5880  }
0x81: {  	[tilespmem:s4], [sflag:$0x1] =	stream.linear.gather [spmem:s3], $0x80, $0x38;
	[tilespmem:$0xA280] =	vst v63  }
0x82: {  	s1 =	rddreg [dreg:$0x1c];
	s2 =	simm.s32 $0x5C80  }
0x83: {  	[tilespmem:s2], [sflag:$0x1] =	stream.linear.gather [spmem:s1], $0x80, $0x38;
	[tilespmem:$0xA280] =	vst v63  }
0x84: {  	s3 =	rddreg [dreg:$0x1d];
	s4 =	simm.s32 $0x6080  }
0x85: {  	[tilespmem:s4], [sflag:$0x1] =	stream.linear.gather [spmem:s3], $0x80, $0x38;
	[tilespmem:$0xA280] =	vst v63  }
0x86: {  	_ =	swait.ge [sflag:s28], $0x280  }
0x87: {  	[sflag:s28] =	ssyncset.done $0x0;
	s1 =	rddreg [dreg:$0x6]  }
0x88: {  	s2 =	simm.s32 $0x5100;
	s3 =	rddreg [dreg:$0x1e];
	[sflag:s28] =	ssyncadd.s32 $0xFFFFFD80  }
0x89: {  	[tilespmem:s2], [sflag:$0x1] =	stream.linear.gather [spmem:s1], $0x80, $0x38;
	[tilespmem:$0xA280] =	vst v63  }
0x8a: {  	s4 =	simm.s32 $0x5500;
	s1 =	rddreg [dreg:$0x1f]  }
0x8b: {  	[tilespmem:s4], [sflag:$0x1] =	stream.linear.gather [spmem:s3], $0x80, $0x38;
	[tilespmem:$0xA280] =	vst v63  }
0x8c: {  	s2 =	simm.s32 $0x5900;
	s3 =	sld [smem:$0x7DD]  }
0x8d: {  	[tilespmem:s2], [sflag:$0x1] =	stream.linear.gather [spmem:s1], $0x80, $0x38;
	[tilespmem:$0xA280] =	vst v63  }
0x8e: {  	s4 =	simm.s32 $0x5D00;
	s1 =	sld [smem:$0x7DE]  }
0x8f: {  	[tilespmem:s4], [sflag:$0x1] =	stream.linear.gather [spmem:s3], $0x80, $0x38;
	[tilespmem:$0xA280] =	vst v63  }
0x90: {  	s2 =	simm.s32 $0x6100  }
0x91: {  	[tilespmem:s2], [sflag:$0x1] =	stream.linear.gather [spmem:s1], $0x80, $0x38;
	[tilespmem:$0xA280] =	vst v63  }
0x92: {  	_ =	swait.ge [sflag:s28], $0x280  }
0x93: {  	[sflag:s28] =	ssyncset.done $0x0;
	s3 =	rddreg [dreg:$0x7]  }
0x94: {  	s4 =	simm.s32 $0x5180;
	s1 =	sld [smem:$0x7DF];
	[sflag:s28] =	ssyncadd.s32 $0xFFFFFD80  }
0x95: {  	[tilespmem:s4], [sflag:$0x1] =	stream.linear.gather [spmem:s3], $0x80, $0x38;
	[tilespmem:$0xA280] =	vst v63  }
0x96: {  	s2 =	simm.s32 $0x5580;
	s3 =	sld [smem:$0x7E0]  }
0x97: {  	[tilespmem:s2], [sflag:$0x1] =	stream.linear.gather [spmem:s1], $0x80, $0x38;
	[tilespmem:$0xA280] =	vst v63  }
0x98: {  	s4 =	simm.s32 $0x5980;
	s1 =	sld [smem:$0x7E1]  }
0x99: {  	[tilespmem:s4], [sflag:$0x1] =	stream.linear.gather [spmem:s3], $0x80, $0x38;
	[tilespmem:$0xA280] =	vst v63  }
0x9a: {  	s2 =	simm.s32 $0x5D80;
	s3 =	sld [smem:$0x7E2]  }
0x9b: {  	[tilespmem:s2], [sflag:$0x1] =	stream.linear.gather [spmem:s1], $0x80, $0x38;
	[tilespmem:$0xA280] =	vst v63  }
0x9c: {  	s4 =	simm.s32 $0x6180  }
0x9d: {  	[tilespmem:s4], [sflag:$0x1] =	stream.linear.gather [spmem:s3], $0x80, $0x38;
	[tilespmem:$0xA280] =	vst v63  }
0x9e: {  	_ =	swait.ge [sflag:s28], $0x280  }
0x9f: {  	[sflag:s28] =	ssyncset.done $0x0;
	s1 =	rddreg [dreg:$0x8]  }
0xa0: {  	s2 =	simm.s32 $0x5200;
	s3 =	sld [smem:$0x7E3];
	[sflag:s28] =	ssyncadd.s32 $0xFFFFFD80  }
0xa1: {  	[tilespmem:s2], [sflag:$0x1] =	stream.linear.gather [spmem:s1], $0x80, $0x38;
	[tilespmem:$0xA280] =	vst v63  }
0xa2: {  	s4 =	simm.s32 $0x5600;
	s1 =	sld [smem:$0x7E4]  }
0xa3: {  	[tilespmem:s4], [sflag:$0x1] =	stream.linear.gather [spmem:s3], $0x80, $0x38;
	[tilespmem:$0xA280] =	vst v63  }
0xa4: {  	s2 =	simm.s32 $0x5A00;
	s3 =	sld [smem:$0x7E5]  }
0xa5: {  	[tilespmem:s2], [sflag:$0x1] =	stream.linear.gather [spmem:s1], $0x80, $0x38;
	[tilespmem:$0xA280] =	vst v63  }
0xa6: {  	s4 =	simm.s32 $0x5E00;
	s1 =	sld [smem:$0x7E6]  }
0xa7: {  	[tilespmem:s4], [sflag:$0x1] =	stream.linear.gather [spmem:s3], $0x80, $0x38;
	[tilespmem:$0xA280] =	vst v63  }
0xa8: {  	s2 =	simm.s32 $0x6200  }
0xa9: {  	[tilespmem:s2], [sflag:$0x1] =	stream.linear.gather [spmem:s1], $0x80, $0x38;
	[tilespmem:$0xA280] =	vst v63  }
0xaa: {  	_ =	swait.ge [sflag:s28], $0x280  }
0xab: {  	[sflag:s28] =	ssyncset.done $0x0;
	s3 =	rddreg [dreg:$0x9]  }
0xac: {  	s4 =	simm.s32 $0x5280;
	s1 =	sld [smem:$0x7E7];
	[sflag:s28] =	ssyncadd.s32 $0xFFFFFD80  }
0xad: {  	[tilespmem:s4], [sflag:$0x1] =	stream.linear.gather [spmem:s3], $0x80, $0x38;
	[tilespmem:$0xA280] =	vst v63  }
0xae: {  	s2 =	simm.s32 $0x5680;
	s3 =	sld [smem:$0x7E8]  }
0xaf: {  	[tilespmem:s2], [sflag:$0x1] =	stream.linear.gather [spmem:s1], $0x80, $0x38;
	[tilespmem:$0xA280] =	vst v63  }
0xb0: {  	s4 =	simm.s32 $0x5A80;
	s1 =	sld [smem:$0x7E9]  }
0xb1: {  	[tilespmem:s4], [sflag:$0x1] =	stream.linear.gather [spmem:s3], $0x80, $0x38;
	[tilespmem:$0xA280] =	vst v63  }
0xb2: {  	s2 =	simm.s32 $0x5E80;
	s3 =	sld [smem:$0x7EA]  }
0xb3: {  	[tilespmem:s2], [sflag:$0x1] =	stream.linear.gather [spmem:s1], $0x80, $0x38;
	[tilespmem:$0xA280] =	vst v63  }
0xb4: {  	s4 =	simm.s32 $0x6280  }
0xb5: {  	[tilespmem:s4], [sflag:$0x1] =	stream.linear.gather [spmem:s3], $0x80, $0x38;
	[tilespmem:$0xA280] =	vst v63  }
0xb6: {  	_ =	swait.ge [sflag:s28], $0x280  }
0xb7: {  	[sflag:s28] =	ssyncset.done $0x0;
	s1 =	rddreg [dreg:$0xa]  }
0xb8: {  	s2 =	simm.s32 $0x5300;
	s3 =	sld [smem:$0x7EB];
	[sflag:s28] =	ssyncadd.s32 $0xFFFFFD80  }
0xb9: {  	[tilespmem:s2], [sflag:$0x1] =	stream.linear.gather [spmem:s1], $0x80, $0x38;
	[tilespmem:$0xA280] =	vst v63  }
0xba: {  	s4 =	simm.s32 $0x5700;
	s1 =	sld [smem:$0x7EC]  }
0xbb: {  	[tilespmem:s4], [sflag:$0x1] =	stream.linear.gather [spmem:s3], $0x80, $0x38;
	[tilespmem:$0xA280] =	vst v63  }
0xbc: {  	s2 =	simm.s32 $0x5B00;
	s3 =	sld [smem:$0x7ED]  }
0xbd: {  	[tilespmem:s2], [sflag:$0x1] =	stream.linear.gather [spmem:s1], $0x80, $0x38;
	[tilespmem:$0xA280] =	vst v63  }
0xbe: {  	s4 =	simm.s32 $0x5F00;
	s1 =	sld [smem:$0x7EE]  }
0xbf: {  	[tilespmem:s4], [sflag:$0x1] =	stream.linear.gather [spmem:s3], $0x80, $0x38;
	[tilespmem:$0xA280] =	vst v63  }
0xc0: {  	s2 =	simm.s32 $0x6300  }
0xc1: {  	[tilespmem:s2], [sflag:$0x1] =	stream.linear.gather [spmem:s1], $0x80, $0x38;
	[tilespmem:$0xA280] =	vst v63  }
0xc2: {  	_ =	swait.ge [sflag:s28], $0x280  }
0xc3: {  	[sflag:s28] =	ssyncset.done $0x0;
	s3 =	rddreg [dreg:$0xb]  }
0xc4: {  	s4 =	simm.s32 $0x5380;
	s1 =	sld [smem:$0x7EF];
	[sflag:s28] =	ssyncadd.s32 $0xFFFFFD80  }
0xc5: {  	[tilespmem:s4], [sflag:$0x1] =	stream.linear.gather [spmem:s3], $0x80, $0x38;
	[tilespmem:$0xA280] =	vst v63  }
0xc6: {  	s2 =	simm.s32 $0x5780;
	s3 =	sld [smem:$0x7F0]  }
0xc7: {  	[tilespmem:s2], [sflag:$0x1] =	stream.linear.gather [spmem:s1], $0x80, $0x38;
	[tilespmem:$0xA280] =	vst v63  }
0xc8: {  	s4 =	simm.s32 $0x5B80;
	s1 =	sld [smem:$0x7F1]  }
0xc9: {  	[tilespmem:s4], [sflag:$0x1] =	stream.linear.gather [spmem:s3], $0x80, $0x38;
	[tilespmem:$0xA280] =	vst v63  }
0xca: {  	s2 =	simm.s32 $0x5F80;
	s3 =	sld [smem:$0x7F2]  }
0xcb: {  	[tilespmem:s2], [sflag:$0x1] =	stream.linear.gather [spmem:s1], $0x80, $0x38;
	[tilespmem:$0xA280] =	vst v63  }
0xcc: {  	s4 =	simm.s32 $0x6380  }
0xcd: {  	[tilespmem:s4], [sflag:$0x1] =	stream.linear.gather [spmem:s3], $0x80, $0x38;
	[tilespmem:$0xA280] =	vst v63  }
0xce: {  	_ =	swait.ge [sflag:s28], $0x280  }
0xcf: {  	[sflag:s28] =	ssyncset.done $0x0;
	s1 =	rddreg [dreg:$0xc]  }
0xd0: {  	s2 =	simm.s32 $0x6400;
	s3 =	sld [smem:$0x7F3];
	[sflag:s28] =	ssyncadd.s32 $0xFFFFFD80  }
0xd1: {  	[tilespmem:s2], [sflag:$0x1] =	stream.linear.gather [spmem:s1], $0x80, $0x38;
	[tilespmem:$0xA280] =	vst v63  }
0xd2: {  	s4 =	simm.s32 $0x6800;
	s1 =	sld [smem:$0x7F4]  }
0xd3: {  	[tilespmem:s4], [sflag:$0x1] =	stream.linear.gather [spmem:s3], $0x80, $0x38;
	[tilespmem:$0xA280] =	vst v63  }
0xd4: {  	s2 =	simm.s32 $0x6C00;
	s3 =	sld [smem:$0x7F5]  }
0xd5: {  	[tilespmem:s2], [sflag:$0x1] =	stream.linear.gather [spmem:s1], $0x80, $0x38;
	[tilespmem:$0xA280] =	vst v63  }
0xd6: {  	s4 =	simm.s32 $0x7000;
	s1 =	sld [smem:$0x7F6]  }
0xd7: {  	[tilespmem:s4], [sflag:$0x1] =	stream.linear.gather [spmem:s3], $0x80, $0x38;
	[tilespmem:$0xA280] =	vst v63  }
0xd8: {  	s2 =	simm.s32 $0x7400  }
0xd9: {  	[tilespmem:s2], [sflag:$0x1] =	stream.linear.gather [spmem:s1], $0x80, $0x38;
	[tilespmem:$0xA280] =	vst v63  }
0xda: {  	_ =	swait.ge [sflag:s28], $0x280  }
0xdb: {  	[sflag:s28] =	ssyncset.done $0x0;
	s3 =	rddreg [dreg:$0xd]  }
0xdc: {  	s4 =	simm.s32 $0x6480;
	s1 =	sld [smem:$0x7F7];
	[sflag:s28] =	ssyncadd.s32 $0xFFFFFD80  }
0xdd: {  	[tilespmem:s4], [sflag:$0x1] =	stream.linear.gather [spmem:s3], $0x80, $0x38;
	[tilespmem:$0xA280] =	vst v63  }
0xde: {  	s2 =	simm.s32 $0x6880;
	s3 =	sld [smem:$0x7F8]  }
0xdf: {  	[tilespmem:s2], [sflag:$0x1] =	stream.linear.gather [spmem:s1], $0x80, $0x38;
	[tilespmem:$0xA280] =	vst v63  }
0xe0: {  	s4 =	simm.s32 $0x6C80;
	s1 =	sld [smem:$0x7F9]  }
0xe1: {  	[tilespmem:s4], [sflag:$0x1] =	stream.linear.gather [spmem:s3], $0x80, $0x38;
	[tilespmem:$0xA280] =	vst v63  }
0xe2: {  	s2 =	simm.s32 $0x7080;
	s3 =	sld [smem:$0x7FA]  }
0xe3: {  	[tilespmem:s2], [sflag:$0x1] =	stream.linear.gather [spmem:s1], $0x80, $0x38;
	[tilespmem:$0xA280] =	vst v63  }
0xe4: {  	s4 =	simm.s32 $0x7480  }
0xe5: {  	[tilespmem:s4], [sflag:$0x1] =	stream.linear.gather [spmem:s3], $0x80, $0x38;
	[tilespmem:$0xA280] =	vst v63  }
0xe6: {  	_ =	swait.ge [sflag:s28], $0x280  }
0xe7: {  	[sflag:s28] =	ssyncset.done $0x0;
	s1 =	rddreg [dreg:$0xe]  }
0xe8: {  	s2 =	simm.s32 $0x6500;
	s3 =	sld [smem:$0x7FB];
	[sflag:s28] =	ssyncadd.s32 $0xFFFFFD80  }
0xe9: {  	[tilespmem:s2], [sflag:$0x1] =	stream.linear.gather [spmem:s1], $0x80, $0x38;
	[tilespmem:$0xA280] =	vst v63  }
0xea: {  	s4 =	simm.s32 $0x6900;
	s1 =	sld [smem:$0x7FC]  }
0xeb: {  	[tilespmem:s4], [sflag:$0x1] =	stream.linear.gather [spmem:s3], $0x80, $0x38;
	[tilespmem:$0xA280] =	vst v63  }
0xec: {  	s2 =	simm.s32 $0x6D00;
	s3 =	sld [smem:$0x7FD]  }
0xed: {  	[tilespmem:s2], [sflag:$0x1] =	stream.linear.gather [spmem:s1], $0x80, $0x38;
	[tilespmem:$0xA280] =	vst v63  }
0xee: {  	s4 =	simm.s32 $0x7100  }
0xef: {  	[tilespmem:s4], [sflag:$0x1] =	stream.linear.gather [spmem:s3], $0x80, $0x38;
	[tilespmem:$0xA280] =	vst v63  }
0xf0: {  	s2 =	simm.s32 $0x7500  }
0xf1: {  	[tilespmem:s2], [sflag:$0x1] =	stream.linear.gather [spmem:s6], $0x80, $0x38;
	[tilespmem:$0xA280] =	vst v63  }
0xf2: {  	_ =	swait.ge [sflag:s28], $0x280  }
0xf3: {  	[sflag:s28] =	ssyncset.done $0x0  }
0xf4: {  	s4 =	simm.s32 $0x6580;
	s3 =	rddreg [dreg:$0xf];
	[sflag:s28] =	ssyncadd.s32 $0xFFFFFD80  }
0xf5: {  	[tilespmem:s4], [sflag:$0x1] =	stream.linear.gather [spmem:s3], $0x80, $0x38;
	[tilespmem:$0xA280] =	vst v63  }
0xf6: {  	s1 =	simm.s32 $0x6980  }
0xf7: {  	[tilespmem:s1], [sflag:$0x1] =	stream.linear.gather [spmem:s7], $0x80, $0x38;
	[tilespmem:$0xA280] =	vst v63  }
0xf8: {  	s2 =	simm.s32 $0x6D80  }
0xf9: {  	[tilespmem:s2], [sflag:$0x1] =	stream.linear.gather [spmem:s8], $0x80, $0x38;
	[tilespmem:$0xA280] =	vst v63  }
0xfa: {  	s3 =	simm.s32 $0x7180  }
0xfb: {  	[tilespmem:s3], [sflag:$0x1] =	stream.linear.gather [spmem:s9], $0x80, $0x38;
	[tilespmem:$0xA280] =	vst v63  }
0xfc: {  	s4 =	simm.s32 $0x7580  }
0xfd: {  	[tilespmem:s4], [sflag:$0x1] =	stream.linear.gather [spmem:s10], $0x80, $0x38;
	[tilespmem:$0xA280] =	vst v63  }
0xfe: {  	_ =	swait.ge [sflag:s28], $0x280  }
0xff: {  	[sflag:s28] =	ssyncset.done $0x0  }
0x100: {  	s2 =	simm.s32 $0x6600;
	s1 =	rddreg [dreg:$0x10];
	[sflag:s28] =	ssyncadd.s32 $0xFFFFFD80  }
0x101: {  	[tilespmem:s2], [sflag:$0x1] =	stream.linear.gather [spmem:s1], $0x80, $0x38;
	[tilespmem:$0xA280] =	vst v63  }
0x102: {  	s3 =	simm.s32 $0x6A00  }
0x103: {  	[tilespmem:s3], [sflag:$0x1] =	stream.linear.gather [spmem:s11], $0x80, $0x38;
	[tilespmem:$0xA280] =	vst v63  }
0x104: {  	s4 =	simm.s32 $0x6E00  }
0x105: {  	[tilespmem:s4], [sflag:$0x1] =	stream.linear.gather [spmem:s12], $0x80, $0x38;
	[tilespmem:$0xA280] =	vst v63  }
0x106: {  	s1 =	simm.s32 $0x7200  }
0x107: {  	[tilespmem:s1], [sflag:$0x1] =	stream.linear.gather [spmem:s13], $0x80, $0x38;
	[tilespmem:$0xA280] =	vst v63  }
0x108: {  	s2 =	simm.s32 $0x7600  }
0x109: {  	[tilespmem:s2], [sflag:$0x1] =	stream.linear.gather [spmem:s14], $0x80, $0x38;
	[tilespmem:$0xA280] =	vst v63  }
0x10a: {  	_ =	swait.ge [sflag:s28], $0x280  }
0x10b: {  	[sflag:s28] =	ssyncset.done $0x0  }
0x10c: {  	s4 =	simm.s32 $0x6680;
	s3 =	rddreg [dreg:$0x11];
	[sflag:s28] =	ssyncadd.s32 $0xFFFFFD80  }
0x10d: {  	[tilespmem:s4], [sflag:$0x1] =	stream.linear.gather [spmem:s3], $0x80, $0x38;
	[tilespmem:$0xA280] =	vst v63  }
0x10e: {  	s1 =	simm.s32 $0x6A80  }
0x10f: {  	[tilespmem:s1], [sflag:$0x1] =	stream.linear.gather [spmem:s15], $0x80, $0x38;
	[tilespmem:$0xA280] =	vst v63  }
0x110: {  	s2 =	simm.s32 $0x6E80  }
0x111: {  	[tilespmem:s2], [sflag:$0x1] =	stream.linear.gather [spmem:s16], $0x80, $0x38;
	[tilespmem:$0xA280] =	vst v63  }
0x112: {  	s3 =	simm.s32 $0x7280  }
0x113: {  	[tilespmem:s3], [sflag:$0x1] =	stream.linear.gather [spmem:s17], $0x80, $0x38;
	[tilespmem:$0xA280] =	vst v63  }
0x114: {  	s4 =	simm.s32 $0x7680  }
0x115: {  	[tilespmem:s4], [sflag:$0x1] =	stream.linear.gather [spmem:s18], $0x80, $0x38;
	[tilespmem:$0xA280] =	vst v63  }
0x116: {  	_ =	swait.ge [sflag:s28], $0x280  }
0x117: {  	[sflag:s28] =	ssyncset.done $0x0  }
0x118: {  	s2 =	simm.s32 $0x6700;
	s1 =	rddreg [dreg:$0x12];
	[sflag:s28] =	ssyncadd.s32 $0xFFFFFD80  }
0x119: {  	[tilespmem:s2], [sflag:$0x1] =	stream.linear.gather [spmem:s1], $0x80, $0x38;
	[tilespmem:$0xA280] =	vst v63  }
0x11a: {  	s3 =	simm.s32 $0x6B00  }
0x11b: {  	[tilespmem:s3], [sflag:$0x1] =	stream.linear.gather [spmem:s19], $0x80, $0x38;
	[tilespmem:$0xA280] =	vst v63  }
0x11c: {  	s4 =	simm.s32 $0x6F00  }
0x11d: {  	[tilespmem:s4], [sflag:$0x1] =	stream.linear.gather [spmem:s20], $0x80, $0x38;
	[tilespmem:$0xA280] =	vst v63  }
0x11e: {  	s1 =	simm.s32 $0x7300  }
0x11f: {  	[tilespmem:s1], [sflag:$0x1] =	stream.linear.gather [spmem:s21], $0x80, $0x38;
	[tilespmem:$0xA280] =	vst v63  }
0x120: {  	s2 =	simm.s32 $0x7700  }
0x121: {  	[tilespmem:s2], [sflag:$0x1] =	stream.linear.gather [spmem:s22], $0x80, $0x38;
	[tilespmem:$0xA280] =	vst v63  }
0x122: {  	_ =	swait.ge [sflag:s28], $0x280  }
0x123: {  	[sflag:s28] =	ssyncset.done $0x0  }
0x124: {  	s4 =	simm.s32 $0x6780;
	s3 =	rddreg [dreg:$0x13];
	[sflag:s28] =	ssyncadd.s32 $0xFFFFFD80  }
0x125: {  	[tilespmem:s4], [sflag:$0x1] =	stream.linear.gather [spmem:s3], $0x80, $0x38;
	[tilespmem:$0xA280] =	vst v63  }
0x126: {  	s2 =	simm.s32 $0x6B80  }
0x127: {  	[tilespmem:s2], [sflag:$0x1] =	stream.linear.gather [spmem:s23], $0x80, $0x38;
	[tilespmem:$0xA280] =	vst v63  }
0x128: {  	s3 =	simm.s32 $0x6F80  }
0x129: {  	[tilespmem:s3], [sflag:$0x1] =	stream.linear.gather [spmem:s24], $0x80, $0x38;
	[tilespmem:$0xA280] =	vst v63  }
0x12a: {  	s4 =	simm.s32 $0x7380  }
0x12b: {  	[tilespmem:s4], [sflag:$0x1] =	stream.linear.gather [spmem:s25], $0x80, $0x38;
	[tilespmem:$0xA280] =	vst v63  }
0x12c: {  	s1 =	simm.s32 $0x7780  }
0x12d: {  	[tilespmem:s1], [sflag:$0x1] =	stream.linear.gather [spmem:s26], $0x80, $0x38;
	[tilespmem:$0xA280] =	vst v63  }
0x12e: {  	s2 =	simm.s32 $0x0;
	_ =	swait.ge [sflag:s28], $0x280  }
0x12f: {  	s0 =	sand.u32 $0x1C00, s2;
	s3 =	sand.u32 $0x70, s2;
	[sflag:s28] =	ssyncset.done $0x0  }
0x130: {  	s0 =	sor.u32 s3, s0;
	[sflag:s28] =	ssyncadd.s32 $0xFFFFFD80  }
0x131: {  	v2 =	vld [tilespmem:s0+$0x5080]  }
0x132: {  	v3 =	vld [tilespmem:s0+$0x5000];
	_ =	sdelay $0x1  }
0x133: {  	v4 =	vld [tilespmem:s0+$0x5100];
	_ =	sdelay $0x1  }
0x134: {  	v5 =	vld [tilespmem:s0+$0x5180]  }
0x135: {  	v2 =	vadd.f32 v2, v3  }
0x136: {  	v3 =	vld [tilespmem:s0+$0x5200]  }
0x137: {  	v2 =	vadd.f32 v4, v2  }
0x138: {  	v56 =	vld [tilespmem:s0+$0x5280]  }
0x139: {  	v2 =	vadd.f32 v5, v2  }
0x13a: {  	v57 =	vld [tilespmem:s0+$0x5300]  }
0x13b: {  	v2 =	vadd.f32 v3, v2  }
0x13c: {  	v3 =	vld [tilespmem:s0+$0x5380]  }
0x13d: {  	v2 =	vadd.f32 v56, v2  }
0x13e: {  	v58 =	vld [tilespmem:s0+$0x6400]  }
0x13f: {  	v2 =	vadd.f32 v57, v2  }
0x140: {  	v59 =	vld [tilespmem:s0+$0x6480]  }
0x141: {  	v2 =	vadd.f32 v3, v2  }
0x142: {  	v3 =	vld [tilespmem:s0+$0x6500]  }
0x143: {  	v2 =	vadd.f32 v58, v2  }
0x144: {  	v60 =	vld [tilespmem:s0+$0x6580]  }
0x145: {  	v2 =	vadd.f32 v59, v2  }
0x146: {  	v61 =	vld [tilespmem:s0+$0x6600]  }
0x147: {  	v2 =	vadd.f32 v3, v2  }
0x148: {  	v3 =	vld [tilespmem:s0+$0x6680]  }
0x149: {  	v2 =	vadd.f32 v60, v2  }
0x14a: {  	v62 =	vld [tilespmem:s0+$0x6700]  }
0x14b: {  	v2 =	vadd.f32 v61, v2  }
0x14c: {  	v63 =	vld [tilespmem:s0+$0x6780]  }
0x14d: {  	v2 =	vadd.f32 v3, v2;
	_ =	sdelay $0x1  }
0x14e: {  	v2 =	vadd.f32 v62, v2;
	_ =	sdelay $0x1  }
0x14f: {  	s2 =	simm.s32 $0x80;
	s4 =	simm.s32 $0x10;
	v2 =	vadd.f32 v63, v2  }
0x150: {  	s3 =	sand.u32 $0x1C00, s2;
	s1 =	simm.s32 $0x7800;
	s0 =	sand.u32 $0x70, s4  }
0x151: {  	s0 =	sor.u32 s0, s3;
	s3 =	simm.s32 $0x20;
	[tilespmem:s1+$0x0] =	vst v2  }
.LBB2_6:
0x152: {  	p0 =	sne.s32 s3, $0x270;
	v2 =	vld [tilespmem:s0+$0x5080]  }
0x153: {  	v3 =	vld [tilespmem:s0+$0x5000];
	_ =	sdelay $0x1  }
0x154: {  	v4 =	vld [tilespmem:s0+$0x5100];
	_ =	sdelay $0x1  }
0x155: {  	v5 =	vld [tilespmem:s0+$0x5180]  }
0x156: {  	v2 =	vadd.f32 v2, v3  }
0x157: {  	v3 =	vld [tilespmem:s0+$0x5200]  }
0x158: {  	v2 =	vadd.f32 v4, v2  }
0x159: {  	v4 =	vld [tilespmem:s0+$0x5280]  }
0x15a: {  	v2 =	vadd.f32 v5, v2  }
0x15b: {  	v5 =	vld [tilespmem:s0+$0x5300]  }
0x15c: {  	v2 =	vadd.f32 v3, v2  }
0x15d: {  	v3 =	vld [tilespmem:s0+$0x5380]  }
0x15e: {  	v2 =	vadd.f32 v4, v2  }
0x15f: {  	v4 =	vld [tilespmem:s0+$0x6400]  }
0x160: {  	v2 =	vadd.f32 v5, v2  }
0x161: {  	v5 =	vld [tilespmem:s0+$0x6480]  }
0x162: {  	v2 =	vadd.f32 v3, v2  }
0x163: {  	v3 =	vld [tilespmem:s0+$0x6500]  }
0x164: {  	v2 =	vadd.f32 v4, v2  }
0x165: {  	v4 =	vld [tilespmem:s0+$0x6580]  }
0x166: {  	v2 =	vadd.f32 v5, v2  }
0x167: {  	v5 =	vld [tilespmem:s0+$0x6600]  }
0x168: {  	v2 =	vadd.f32 v3, v2  }
0x169: {  	v3 =	vld [tilespmem:s0+$0x6680]  }
0x16a: {  	v2 =	vadd.f32 v4, v2  }
0x16b: {  	v4 =	vld [tilespmem:s0+$0x6700]  }
0x16c: {  	v2 =	vadd.f32 v5, v2  }
0x16d: {  	v5 =	vld [tilespmem:s0+$0x6780]  }
0x16e: {  	v2 =	vadd.f32 v3, v2;
	_ =	sdelay $0x1  }
.Ltmp2:
0x16f: {  	v2 =	vadd.f32 v4, v2;
	(pc) =	sbr.rel @p0 .LBB2_6-.Ltmp2, $4  }
0x170: {  	_ = 	snop  }
0x171: {  	s2 =	sadd.s32 $0x80, s2;
	v2 =	vadd.f32 v5, v2  }
0x172: {  	s1 =	sadd.s32 $0x10, s1;
	s4 =	sand.u32 $0x1C00, s2;
	s0 =	sand.u32 $0x70, s3  }
0x173: {  	s3 =	sadd.s32 $0x10, s3;
	s0 =	sor.u32 s0, s4;
	[tilespmem:s1+$0x0] =	vst v2  }
0x174: {  	v2 =	vld [tilespmem:s0+$0x5080]  }
0x175: {  	v3 =	vld [tilespmem:s0+$0x5000];
	_ =	sdelay $0x1  }
0x176: {  	v4 =	vld [tilespmem:s0+$0x5100];
	_ =	sdelay $0x1  }
0x177: {  	v5 =	vld [tilespmem:s0+$0x5180]  }
0x178: {  	v2 =	vadd.f32 v2, v3  }
0x179: {  	v3 =	vld [tilespmem:s0+$0x5200]  }
0x17a: {  	v2 =	vadd.f32 v4, v2  }
0x17b: {  	v56 =	vld [tilespmem:s0+$0x5280]  }
0x17c: {  	v2 =	vadd.f32 v5, v2  }
0x17d: {  	v57 =	vld [tilespmem:s0+$0x5300]  }
0x17e: {  	v2 =	vadd.f32 v3, v2  }
0x17f: {  	v3 =	vld [tilespmem:s0+$0x5380]  }
0x180: {  	v2 =	vadd.f32 v56, v2  }
0x181: {  	v58 =	vld [tilespmem:s0+$0x6400]  }
0x182: {  	v2 =	vadd.f32 v57, v2  }
0x183: {  	v59 =	vld [tilespmem:s0+$0x6480]  }
0x184: {  	v2 =	vadd.f32 v3, v2  }
0x185: {  	v3 =	vld [tilespmem:s0+$0x6500]  }
0x186: {  	v2 =	vadd.f32 v58, v2  }
0x187: {  	v60 =	vld [tilespmem:s0+$0x6580]  }
0x188: {  	v2 =	vadd.f32 v59, v2  }
0x189: {  	v61 =	vld [tilespmem:s0+$0x6600]  }
0x18a: {  	v2 =	vadd.f32 v3, v2  }
0x18b: {  	v3 =	vld [tilespmem:s0+$0x6680]  }
0x18c: {  	v2 =	vadd.f32 v60, v2  }
0x18d: {  	v62 =	vld [tilespmem:s0+$0x6700]  }
0x18e: {  	v2 =	vadd.f32 v61, v2  }
0x18f: {  	v63 =	vld [tilespmem:s0+$0x6780]  }
0x190: {  	v2 =	vadd.f32 v3, v2;
	_ =	sdelay $0x1  }
0x191: {  	v2 =	vadd.f32 v62, v2;
	_ =	sdelay $0x1  }
0x192: {  	v2 =	vadd.f32 v63, v2  }
0x193: {  	s4 =	sadd.s32 $0x10, s1  }
0x194: {  	s1 =	rddreg [dreg:$0x14];
	s3 =	simm.s32 $0x100;
	s2 =	simm.s32 $0x7800;
	[tilespmem:s4+$0x0] =	vst v2  }
0x195: {  	[hbm4b:s1+s30] =	stream.strided.scatter [tilespmem:s2], [sflag:$0x1], $0x280, s3, s30, $0x38;
	[tilespmem:$0xA280] =	vst v63  }
0x196: {  	_ =	swait.ge [sflag:s28], $0x280  }
0x197: {  	s31 =	sadd.s32 $0x1, s31;
	s4 =	rddreg [dreg:$0x15]  }
0x198: {  	p0 =	sne.s32 s31, s4  }
.Ltmp3:
0x199: {  	_ = 	snop;
	(pc) =	sbr.rel @p0 .LBB2_1-.Ltmp3, $3  }
0x19a: {  	_ =	sdelay $0x1  }
0x19b: {  	[sflag:s28] =	ssyncset.done $0x0  }
0x19c: {  	[sflag:s28] =	ssyncadd.s32 $0xFFFFFD80  }
0x19d: {  	_ =	sfence.sel $0x180000  }
0x19e: {  	[bflag:$0x0] =	sbarrier.arrive $0xFFFF  }
0x19f: {  	_ =	strace $0x90000047  }
0x1a0: {  	s0 =	stileid.u32;
	[bflag:$0x2] =	sbarrier.arrive $0xFFFF  }
0x1a1: {  	p0 =	sne.s32 s0, $0x0;
	s0 =	rddreg [dreg:$0x2]  }
0x1a2: {  	s0 =	sadd.s32 @!p0 $0x100000, s0  }
0x1a3: {  	[sflag:s0] =	ssyncadd.tile.s32 @!p0 $0x1;
	_ =	shalt  }
.Lfunc_end2:
_tile_overlayer_lowered:
.L_overlay_start_2:
0x1a4: {  	(tag) =	ssettag $0x2  }
0x1a5: {  	s0 =	rddreg [dreg:$0x0];
	s2 =	stileid.u32  }
0x1a6: {  	s1 =	rddreg [dreg:$0x1];
	p0 =	sne.s32 s2, $0x0  }
0x1a7: {  	s3 =	rddreg [dreg:$0x2];
	[bflag:$0x3] =	sbarrier.arrive $0xFFFF;
	s2 =	simm.s32 @!p0 $0x1C01  }
0x1a8: {  	[timem:s3], [sflag:s2] =	dma.local @!p0 [hbm:s0], s1  }
0x1a9: {  	s0 =	simm.s32 @!p0 $0x1  }
0x1aa: {  	_ =	swait.ge @!p0 [sflag:s0], s1  }
0x1ab: {  	s1 =	ssub.s32 @!p0 $0x0, s1;
	[sflag:s0] =	ssyncset.done @!p0 $0x0  }
0x1ac: {  	[sflag:s0] =	ssyncadd.s32 @!p0 s1  }
0x1ad: {  	[bflag:$0x3] =	sbarrier.arrive $0xFFFF  }
0x1ae: {  	_ =	shalt  }

</sc_bundles>
